<compile_context>
chip_gen: v7x
topology: tpu7x:2x2x1
jax: 0.10.2.dev20260603
libtpu: 0.0.44.dev20260713+nightly
codegen_flags: <defaults>
</compile_context>

<pallas_src>
import functools

import jax
import jax.numpy as jnp
from jax import lax
from jax.experimental import pallas as pl
from jax.experimental.pallas import tpu as pltpu
from jax.experimental.pallas import tpu_sc as plsc

_N = 1048576
_ROWS = 1024
_COLS = 1024
_G = 8
_BLK = _ROWS // _G
_EFFICIENCY = 0.995
_NUM_PARENTS = 2.0
_INV_LOSS = float(1.0 / (_EFFICIENCY**_NUM_PARENTS))

_NC, _NS, _L = 2, 16, 16
_NW = _NC * _NS
_PER_W = _N // _NW
_CHUNK = 4096
_NDMA = _PER_W // _CHUNK


def _reduce_body(x_hbm, o_ref, vbuf, sems):
    def in_copy(i):
        return pltpu.make_async_copy(
            x_hbm.at[pl.ds(i * _BLK, _BLK), :], vbuf.at[i], sems.at[i]
        )

    for i in range(_G):
        in_copy(i).start()
    acc = jnp.float32(0.0)
    for i in range(_G):
        in_copy(i).wait()
        acc = acc + jnp.sum(vbuf[i])
    val = acc * _INV_LOSS
    for k in range(_L):
        o_ref[k] = val


_sc_mesh = plsc.VectorSubcoreMesh(core_axis_name="c", subcore_axis_name="s")


@functools.partial(
    pl.kernel,
    out_type=jax.ShapeDtypeStruct((_N,), jnp.float32),
    mesh=_sc_mesh,
    scratch_types=[
        pltpu.VMEM((_L,), jnp.float32),
        pltpu.VMEM((_CHUNK,), jnp.float32),
        pltpu.SemaphoreType.DMA((_NDMA,)),
    ],
)
def _sc_fill(val_hbm, out_hbm, v16, chunk, sems):
    wid = lax.axis_index("s") * _NC + lax.axis_index("c")
    pltpu.sync_copy(val_hbm, v16)
    v = v16[...]

    def fill_body(i, carry):
        chunk[pl.ds(i * _L, _L)] = v
        return carry

    lax.fori_loop(0, _CHUNK // _L, fill_body, 0)
    base = wid * _PER_W
    copies = [
        pltpu.make_async_copy(
            chunk, out_hbm.at[pl.ds(base + j * _CHUNK, _CHUNK)], sems.at[j]
        )
        for j in range(_NDMA)
    ]
    for cp in copies:
        cp.start()
    for cp in copies:
        cp.wait()


def kernel(charger_rate_current, charger_idx):
    del charger_idx
    x = charger_rate_current.reshape(_ROWS, _COLS)
    total = pl.pallas_call(
        _reduce_body,
        in_specs=[pl.BlockSpec(memory_space=pl.ANY)],
        out_specs=pl.BlockSpec(memory_space=pltpu.SMEM),
        out_shape=jax.ShapeDtypeStruct((_L,), jnp.float32),
        scratch_shapes=[
            pltpu.VMEM((_G, _BLK, _COLS), jnp.float32),
            pltpu.SemaphoreType.DMA((_G,)),
        ],
    )(x)
    return _sc_fill(total)

# --- scband reference (transcript-rebuilt; emitter-appended) ---
"""Pipeline reference for scband-charger-group-54855322304676 (READ-ONLY COPY).

The authoritative reference and input builder live on the scoring server;
editing this copy changes nothing except your own understanding.
"""

import jax, jax.numpy as jnp
import numpy as np

# ---- static group structure (equinox static fields / connections pytree) ----
NUM_CHARGERS = 1048576
NUM_SUBGROUPS = 8
EFFICIENCY = 0.995
# The top-level ChargerGroup holds 8 sub-ChargerGroups, each holding one index
# array. jax.tree.leaves_with_path on `connections` gives every leaf a path of
# length 3 (outer list idx -> .connections attr -> inner list idx), so
# num_parents = len(path) // 3 + 1 = 2 for every charger in the group.
NUM_PARENTS = 2.0


def setup_inputs(seed: int = 0) -> dict:
    key = jax.random.key(seed)
    k1, k2 = jax.random.split(key)
    # Chargers.charger_rate_current : float32[N] (only field read by total_draw_group)
    charger_rate_current = jax.random.uniform(
        k1, (NUM_CHARGERS,), minval=0.0, maxval=75.0, dtype=jnp.float32
    )
    # charger_idx_in_group = np.concatenate(tree_leaves(connections)): a
    # permutation of all charger indices, ordered by subgroup membership.
    charger_idx = jax.random.permutation(k2, NUM_CHARGERS)
    return {
        "charger_rate_current": charger_rate_current,
        "charger_idx": charger_idx,
    }


def reference(charger_rate_current, charger_idx):
    # group_rate_current: gather charger rates for all chargers in the group,
    # then reduce (segment-style sum over the whole group).
    draw = jnp.sum(jnp.take(charger_rate_current, charger_idx, axis=0))
    # num_parents_per_charger: static property of the group topology.
    parents_per_charger = jnp.full(
        (charger_idx.shape[0],), NUM_PARENTS, dtype=jnp.float32
    )
    loss = EFFICIENCY ** parents_per_charger
    # total_draw_group: scalar draw broadcast-divided by per-charger loss -> [N]
    required_total_draw = draw / loss
    return required_total_draw

if __name__ == "__main__":
    import jax
    _d = setup_inputs()
    print(jax.jit(kernel)(*tuple(_d.values())))

</pallas_src>

<mosaic_0001>
#map = affine_map<(d0, d1) -> (0)>
module attributes {stable_mosaic.version = 14 : i64} {
  func.func @_sc_fill(%arg0: i32, %arg1: i32, %arg2: memref<16xf32, #tpu.memory_space<hbm>>, %arg3: memref<1048576xf32, #tpu.memory_space<hbm>>, %arg4: memref<16xf32, #tpu.memory_space<vmem>>, %arg5: memref<4096xf32, #tpu.memory_space<vmem>>, %arg6: memref<8x!tpu.dma_semaphore, #tpu.memory_space<semaphore_mem>>) attributes {dimension_semantics = [#tpu.dimension_semantics<core_parallel>, #tpu.dimension_semantics<subcore_parallel>], iteration_bounds = array<i64: 2, 16>, scalar_prefetch = 0 : i64, scratch_operands = 3 : i64, tpu.core_type = #tpu.core_type<sc_vector_subcore>, window_params = [{transform_indices = #map}, {transform_indices = #map}]} {
    %mul3A = arith.constant 2 : i32
    %mul3A_0 = arith.muli %arg1, %mul3A : i32
    %add3A = arith.addi %mul3A_0, %arg0 : i32
    "tpu.region"() ({
      %run_scoped3A = tpu.sem_alloc : memref<!tpu.dma_semaphore, #tpu.memory_space<semaphore_mem>>
      tpu.enqueue_dma source(%arg2 : memref<16xf32, #tpu.memory_space<hbm>>) target(%arg4 : memref<16xf32, #tpu.memory_space<vmem>>) target_semaphore(%run_scoped3A : memref<!tpu.dma_semaphore, #tpu.memory_space<semaphore_mem>>)
      tpu.wait_dma2 semaphore(%run_scoped3A : memref<!tpu.dma_semaphore, #tpu.memory_space<semaphore_mem>>) src(%arg2 : memref<16xf32, #tpu.memory_space<hbm>>) dst(%arg4 : memref<16xf32, #tpu.memory_space<vmem>>)
      tpu.yield
    }) : () -> ()
    %get3A = arith.constant 0 : index
    %get3A_1 = tpu.vector_load %arg4[%get3A] {strides = array<i32>} : memref<16xf32, #tpu.memory_space<vmem>>, vector<16xf32>,
    %get3A_2 = vector.shape_cast %get3A_1 : vector<16xf32> to vector<16xf32>
    %scan3A = arith.constant 0 : i32
    %scan3A_3 = arith.constant 0 : i32
    %scan3A_4 = arith.constant 256 : i32
    %scan3A_5 = arith.addi %scan3A_3, %scan3A_4 : i32
    %scan3A_6 = arith.constant 1 : i32
    scf.for %scan3A_104 = %scan3A_3 to %scan3A_5 step %scan3A_6  : i32 {
      %mul3A_105 = arith.constant 16 : i32
      %mul3A_106 = arith.muli %scan3A_104, %mul3A_105 : i32
      %swap3A = arith.index_cast %mul3A_106 : i32 to index
      %swap3A_107 = tpu.vector_load %arg5[%swap3A] {strides = array<i32>} : memref<4096xf32, #tpu.memory_space<vmem>>, vector<16xf32>,
      %swap3A_108 = vector.shape_cast %swap3A_107 : vector<16xf32> to vector<16xf32>
      %swap3A_109 = vector.shape_cast %get3A_2 : vector<16xf32> to vector<16xf32>
      tpu.vector_store %arg5[%swap3A], %swap3A_109 {strides = array<i32>} : memref<4096xf32, #tpu.memory_space<vmem>>, vector<16xf32>,
    }
    %scan3A_7 = arith.constant 256 : i32
    %mul3A_8 = arith.constant 32768 : i32
    %mul3A_9 = arith.muli %add3A, %mul3A_8 : i32
    %add3A_10 = arith.constant 0 : i32
    %add3A_11 = arith.addi %mul3A_9, %add3A_10 : i32
    %add3A_12 = arith.constant 4096 : i32
    %add3A_13 = arith.addi %mul3A_9, %add3A_12 : i32
    %add3A_14 = arith.constant 8192 : i32
    %add3A_15 = arith.addi %mul3A_9, %add3A_14 : i32
    %add3A_16 = arith.constant 12288 : i32
    %add3A_17 = arith.addi %mul3A_9, %add3A_16 : i32
    %add3A_18 = arith.constant 16384 : i32
    %add3A_19 = arith.addi %mul3A_9, %add3A_18 : i32
    %add3A_20 = arith.constant 20480 : i32
    %add3A_21 = arith.addi %mul3A_9, %add3A_20 : i32
    %add3A_22 = arith.constant 24576 : i32
    %add3A_23 = arith.addi %mul3A_9, %add3A_22 : i32
    %add3A_24 = arith.constant 28672 : i32
    %add3A_25 = arith.addi %mul3A_9, %add3A_24 : i32
    %dma_start3A = arith.constant 0 : i32
    %dma_start3A_26 = tpu.memref_slice %arg3[%add3A_11] : memref<1048576xf32, #tpu.memory_space<hbm>> -> memref<4096xf32, #tpu.memory_space<hbm>>
    %dma_start3A_27 = tpu.memref_slice %arg6[%dma_start3A] : memref<8x!tpu.dma_semaphore, #tpu.memory_space<semaphore_mem>> -> memref<1x!tpu.dma_semaphore, #tpu.memory_space<semaphore_mem>>
    %dma_start3A_28 = tpu.memref_squeeze %dma_start3A_27 : memref<1x!tpu.dma_semaphore, #tpu.memory_space<semaphore_mem>> -> memref<!tpu.dma_semaphore, #tpu.memory_space<semaphore_mem>>
    %dma_start3A_29 = tpu.memref_slice %arg3[%add3A_11] : memref<1048576xf32, #tpu.memory_space<hbm>> -> memref<4096xf32, #tpu.memory_space<hbm>>
    tpu.enqueue_dma source(%arg5 : memref<4096xf32, #tpu.memory_space<vmem>>) target(%dma_start3A_29 : memref<4096xf32, #tpu.memory_space<hbm>>) target_semaphore(%dma_start3A_28 : memref<!tpu.dma_semaphore, #tpu.memory_space<semaphore_mem>>)
    %dma_start3A_30 = arith.constant 1 : i32
    %dma_start3A_31 = tpu.memref_slice %arg3[%add3A_13] : memref<1048576xf32, #tpu.memory_space<hbm>> -> memref<4096xf32, #tpu.memory_space<hbm>>
    %dma_start3A_32 = tpu.memref_slice %arg6[%dma_start3A_30] : memref<8x!tpu.dma_semaphore, #tpu.memory_space<semaphore_mem>> -> memref<1x!tpu.dma_semaphore, #tpu.memory_space<semaphore_mem>>
    %dma_start3A_33 = tpu.memref_squeeze %dma_start3A_32 : memref<1x!tpu.dma_semaphore, #tpu.memory_space<semaphore_mem>> -> memref<!tpu.dma_semaphore, #tpu.memory_space<semaphore_mem>>
    %dma_start3A_34 = tpu.memref_slice %arg3[%add3A_13] : memref<1048576xf32, #tpu.memory_space<hbm>> -> memref<4096xf32, #tpu.memory_space<hbm>>
    tpu.enqueue_dma source(%arg5 : memref<4096xf32, #tpu.memory_space<vmem>>) target(%dma_start3A_34 : memref<4096xf32, #tpu.memory_space<hbm>>) target_semaphore(%dma_start3A_33 : memref<!tpu.dma_semaphore, #tpu.memory_space<semaphore_mem>>)
    %dma_start3A_35 = arith.constant 2 : i32
    %dma_start3A_36 = tpu.memref_slice %arg3[%add3A_15] : memref<1048576xf32, #tpu.memory_space<hbm>> -> memref<4096xf32, #tpu.memory_space<hbm>>
    %dma_start3A_37 = tpu.memref_slice %arg6[%dma_start3A_35] : memref<8x!tpu.dma_semaphore, #tpu.memory_space<semaphore_mem>> -> memref<1x!tpu.dma_semaphore, #tpu.memory_space<semaphore_mem>>
    %dma_start3A_38 = tpu.memref_squeeze %dma_start3A_37 : memref<1x!tpu.dma_semaphore, #tpu.memory_space<semaphore_mem>> -> memref<!tpu.dma_semaphore, #tpu.memory_space<semaphore_mem>>
    %dma_start3A_39 = tpu.memref_slice %arg3[%add3A_15] : memref<1048576xf32, #tpu.memory_space<hbm>> -> memref<4096xf32, #tpu.memory_space<hbm>>
    tpu.enqueue_dma source(%arg5 : memref<4096xf32, #tpu.memory_space<vmem>>) target(%dma_start3A_39 : memref<4096xf32, #tpu.memory_space<hbm>>) target_semaphore(%dma_start3A_38 : memref<!tpu.dma_semaphore, #tpu.memory_space<semaphore_mem>>)
    %dma_start3A_40 = arith.constant 3 : i32
    %dma_start3A_41 = tpu.memref_slice %arg3[%add3A_17] : memref<1048576xf32, #tpu.memory_space<hbm>> -> memref<4096xf32, #tpu.memory_space<hbm>>
    %dma_start3A_42 = tpu.memref_slice %arg6[%dma_start3A_40] : memref<8x!tpu.dma_semaphore, #tpu.memory_space<semaphore_mem>> -> memref<1x!tpu.dma_semaphore, #tpu.memory_space<semaphore_mem>>
    %dma_start3A_43 = tpu.memref_squeeze %dma_start3A_42 : memref<1x!tpu.dma_semaphore, #tpu.memory_space<semaphore_mem>> -> memref<!tpu.dma_semaphore, #tpu.memory_space<semaphore_mem>>
    %dma_start3A_44 = tpu.memref_slice %arg3[%add3A_17] : memref<1048576xf32, #tpu.memory_space<hbm>> -> memref<4096xf32, #tpu.memory_space<hbm>>
    tpu.enqueue_dma source(%arg5 : memref<4096xf32, #tpu.memory_space<vmem>>) target(%dma_start3A_44 : memref<4096xf32, #tpu.memory_space<hbm>>) target_semaphore(%dma_start3A_43 : memref<!tpu.dma_semaphore, #tpu.memory_space<semaphore_mem>>)
    %dma_start3A_45 = arith.constant 4 : i32
    %dma_start3A_46 = tpu.memref_slice %arg3[%add3A_19] : memref<1048576xf32, #tpu.memory_space<hbm>> -> memref<4096xf32, #tpu.memory_space<hbm>>
    %dma_start3A_47 = tpu.memref_slice %arg6[%dma_start3A_45] : memref<8x!tpu.dma_semaphore, #tpu.memory_space<semaphore_mem>> -> memref<1x!tpu.dma_semaphore, #tpu.memory_space<semaphore_mem>>
    %dma_start3A_48 = tpu.memref_squeeze %dma_start3A_47 : memref<1x!tpu.dma_semaphore, #tpu.memory_space<semaphore_mem>> -> memref<!tpu.dma_semaphore, #tpu.memory_space<semaphore_mem>>
    %dma_start3A_49 = tpu.memref_slice %arg3[%add3A_19] : memref<1048576xf32, #tpu.memory_space<hbm>> -> memref<4096xf32, #tpu.memory_space<hbm>>
    tpu.enqueue_dma source(%arg5 : memref<4096xf32, #tpu.memory_space<vmem>>) target(%dma_start3A_49 : memref<4096xf32, #tpu.memory_space<hbm>>) target_semaphore(%dma_start3A_48 : memref<!tpu.dma_semaphore, #tpu.memory_space<semaphore_mem>>)
    %dma_start3A_50 = arith.constant 5 : i32
    %dma_start3A_51 = tpu.memref_slice %arg3[%add3A_21] : memref<1048576xf32, #tpu.memory_space<hbm>> -> memref<4096xf32, #tpu.memory_space<hbm>>
    %dma_start3A_52 = tpu.memref_slice %arg6[%dma_start3A_50] : memref<8x!tpu.dma_semaphore, #tpu.memory_space<semaphore_mem>> -> memref<1x!tpu.dma_semaphore, #tpu.memory_space<semaphore_mem>>
    %dma_start3A_53 = tpu.memref_squeeze %dma_start3A_52 : memref<1x!tpu.dma_semaphore, #tpu.memory_space<semaphore_mem>> -> memref<!tpu.dma_semaphore, #tpu.memory_space<semaphore_mem>>
    %dma_start3A_54 = tpu.memref_slice %arg3[%add3A_21] : memref<1048576xf32, #tpu.memory_space<hbm>> -> memref<4096xf32, #tpu.memory_space<hbm>>
    tpu.enqueue_dma source(%arg5 : memref<4096xf32, #tpu.memory_space<vmem>>) target(%dma_start3A_54 : memref<4096xf32, #tpu.memory_space<hbm>>) target_semaphore(%dma_start3A_53 : memref<!tpu.dma_semaphore, #tpu.memory_space<semaphore_mem>>)
    %dma_start3A_55 = arith.constant 6 : i32
    %dma_start3A_56 = tpu.memref_slice %arg3[%add3A_23] : memref<1048576xf32, #tpu.memory_space<hbm>> -> memref<4096xf32, #tpu.memory_space<hbm>>
    %dma_start3A_57 = tpu.memref_slice %arg6[%dma_start3A_55] : memref<8x!tpu.dma_semaphore, #tpu.memory_space<semaphore_mem>> -> memref<1x!tpu.dma_semaphore, #tpu.memory_space<semaphore_mem>>
    %dma_start3A_58 = tpu.memref_squeeze %dma_start3A_57 : memref<1x!tpu.dma_semaphore, #tpu.memory_space<semaphore_mem>> -> memref<!tpu.dma_semaphore, #tpu.memory_space<semaphore_mem>>
    %dma_start3A_59 = tpu.memref_slice %arg3[%add3A_23] : memref<1048576xf32, #tpu.memory_space<hbm>> -> memref<4096xf32, #tpu.memory_space<hbm>>
    tpu.enqueue_dma source(%arg5 : memref<4096xf32, #tpu.memory_space<vmem>>) target(%dma_start3A_59 : memref<4096xf32, #tpu.memory_space<hbm>>) target_semaphore(%dma_start3A_58 : memref<!tpu.dma_semaphore, #tpu.memory_space<semaphore_mem>>)
    %dma_start3A_60 = arith.constant 7 : i32
    %dma_start3A_61 = tpu.memref_slice %arg3[%add3A_25] : memref<1048576xf32, #tpu.memory_space<hbm>> -> memref<4096xf32, #tpu.memory_space<hbm>>
    %dma_start3A_62 = tpu.memref_slice %arg6[%dma_start3A_60] : memref<8x!tpu.dma_semaphore, #tpu.memory_space<semaphore_mem>> -> memref<1x!tpu.dma_semaphore, #tpu.memory_space<semaphore_mem>>
    %dma_start3A_63 = tpu.memref_squeeze %dma_start3A_62 : memref<1x!tpu.dma_semaphore, #tpu.memory_space<semaphore_mem>> -> memref<!tpu.dma_semaphore, #tpu.memory_space<semaphore_mem>>
    %dma_start3A_64 = tpu.memref_slice %arg3[%add3A_25] : memref<1048576xf32, #tpu.memory_space<hbm>> -> memref<4096xf32, #tpu.memory_space<hbm>>
    tpu.enqueue_dma source(%arg5 : memref<4096xf32, #tpu.memory_space<vmem>>) target(%dma_start3A_64 : memref<4096xf32, #tpu.memory_space<hbm>>) target_semaphore(%dma_start3A_63 : memref<!tpu.dma_semaphore, #tpu.memory_space<semaphore_mem>>)
    %dma_wait3A = arith.constant 0 : i32
    %dma_wait3A_65 = tpu.memref_slice %arg3[%add3A_11] : memref<1048576xf32, #tpu.memory_space<hbm>> -> memref<4096xf32, #tpu.memory_space<hbm>>
    %dma_wait3A_66 = tpu.memref_slice %arg6[%dma_wait3A] : memref<8x!tpu.dma_semaphore, #tpu.memory_space<semaphore_mem>> -> memref<1x!tpu.dma_semaphore, #tpu.memory_space<semaphore_mem>>
    %dma_wait3A_67 = tpu.memref_squeeze %dma_wait3A_66 : memref<1x!tpu.dma_semaphore, #tpu.memory_space<semaphore_mem>> -> memref<!tpu.dma_semaphore, #tpu.memory_space<semaphore_mem>>
    %dma_wait3A_68 = tpu.memref_slice %arg3[%add3A_11] : memref<1048576xf32, #tpu.memory_space<hbm>> -> memref<4096xf32, #tpu.memory_space<hbm>>
    tpu.wait_dma2 semaphore(%dma_wait3A_67 : memref<!tpu.dma_semaphore, #tpu.memory_space<semaphore_mem>>) src(%arg5 : memref<4096xf32, #tpu.memory_space<vmem>>) dst(%dma_wait3A_68 : memref<4096xf32, #tpu.memory_space<hbm>>)
    %dma_wait3A_69 = arith.constant 1 : i32
    %dma_wait3A_70 = tpu.memref_slice %arg3[%add3A_13] : memref<1048576xf32, #tpu.memory_space<hbm>> -> memref<4096xf32, #tpu.memory_space<hbm>>
    %dma_wait3A_71 = tpu.memref_slice %arg6[%dma_wait3A_69] : memref<8x!tpu.dma_semaphore, #tpu.memory_space<semaphore_mem>> -> memref<1x!tpu.dma_semaphore, #tpu.memory_space<semaphore_mem>>
    %dma_wait3A_72 = tpu.memref_squeeze %dma_wait3A_71 : memref<1x!tpu.dma_semaphore, #tpu.memory_space<semaphore_mem>> -> memref<!tpu.dma_semaphore, #tpu.memory_space<semaphore_mem>>
    %dma_wait3A_73 = tpu.memref_slice %arg3[%add3A_13] : memref<1048576xf32, #tpu.memory_space<hbm>> -> memref<4096xf32, #tpu.memory_space<hbm>>
    tpu.wait_dma2 semaphore(%dma_wait3A_72 : memref<!tpu.dma_semaphore, #tpu.memory_space<semaphore_mem>>) src(%arg5 : memref<4096xf32, #tpu.memory_space<vmem>>) dst(%dma_wait3A_73 : memref<4096xf32, #tpu.memory_space<hbm>>)
    %dma_wait3A_74 = arith.constant 2 : i32
    %dma_wait3A_75 = tpu.memref_slice %arg3[%add3A_15] : memref<1048576xf32, #tpu.memory_space<hbm>> -> memref<4096xf32, #tpu.memory_space<hbm>>
    %dma_wait3A_76 = tpu.memref_slice %arg6[%dma_wait3A_74] : memref<8x!tpu.dma_semaphore, #tpu.memory_space<semaphore_mem>> -> memref<1x!tpu.dma_semaphore, #tpu.memory_space<semaphore_mem>>
    %dma_wait3A_77 = tpu.memref_squeeze %dma_wait3A_76 : memref<1x!tpu.dma_semaphore, #tpu.memory_space<semaphore_mem>> -> memref<!tpu.dma_semaphore, #tpu.memory_space<semaphore_mem>>
    %dma_wait3A_78 = tpu.memref_slice %arg3[%add3A_15] : memref<1048576xf32, #tpu.memory_space<hbm>> -> memref<4096xf32, #tpu.memory_space<hbm>>
    tpu.wait_dma2 semaphore(%dma_wait3A_77 : memref<!tpu.dma_semaphore, #tpu.memory_space<semaphore_mem>>) src(%arg5 : memref<4096xf32, #tpu.memory_space<vmem>>) dst(%dma_wait3A_78 : memref<4096xf32, #tpu.memory_space<hbm>>)
    %dma_wait3A_79 = arith.constant 3 : i32
    %dma_wait3A_80 = tpu.memref_slice %arg3[%add3A_17] : memref<1048576xf32, #tpu.memory_space<hbm>> -> memref<4096xf32, #tpu.memory_space<hbm>>
    %dma_wait3A_81 = tpu.memref_slice %arg6[%dma_wait3A_79] : memref<8x!tpu.dma_semaphore, #tpu.memory_space<semaphore_mem>> -> memref<1x!tpu.dma_semaphore, #tpu.memory_space<semaphore_mem>>
    %dma_wait3A_82 = tpu.memref_squeeze %dma_wait3A_81 : memref<1x!tpu.dma_semaphore, #tpu.memory_space<semaphore_mem>> -> memref<!tpu.dma_semaphore, #tpu.memory_space<semaphore_mem>>
    %dma_wait3A_83 = tpu.memref_slice %arg3[%add3A_17] : memref<1048576xf32, #tpu.memory_space<hbm>> -> memref<4096xf32, #tpu.memory_space<hbm>>
    tpu.wait_dma2 semaphore(%dma_wait3A_82 : memref<!tpu.dma_semaphore, #tpu.memory_space<semaphore_mem>>) src(%arg5 : memref<4096xf32, #tpu.memory_space<vmem>>) dst(%dma_wait3A_83 : memref<4096xf32, #tpu.memory_space<hbm>>)
    %dma_wait3A_84 = arith.constant 4 : i32
    %dma_wait3A_85 = tpu.memref_slice %arg3[%add3A_19] : memref<1048576xf32, #tpu.memory_space<hbm>> -> memref<4096xf32, #tpu.memory_space<hbm>>
    %dma_wait3A_86 = tpu.memref_slice %arg6[%dma_wait3A_84] : memref<8x!tpu.dma_semaphore, #tpu.memory_space<semaphore_mem>> -> memref<1x!tpu.dma_semaphore, #tpu.memory_space<semaphore_mem>>
    %dma_wait3A_87 = tpu.memref_squeeze %dma_wait3A_86 : memref<1x!tpu.dma_semaphore, #tpu.memory_space<semaphore_mem>> -> memref<!tpu.dma_semaphore, #tpu.memory_space<semaphore_mem>>
    %dma_wait3A_88 = tpu.memref_slice %arg3[%add3A_19] : memref<1048576xf32, #tpu.memory_space<hbm>> -> memref<4096xf32, #tpu.memory_space<hbm>>
    tpu.wait_dma2 semaphore(%dma_wait3A_87 : memref<!tpu.dma_semaphore, #tpu.memory_space<semaphore_mem>>) src(%arg5 : memref<4096xf32, #tpu.memory_space<vmem>>) dst(%dma_wait3A_88 : memref<4096xf32, #tpu.memory_space<hbm>>)
    %dma_wait3A_89 = arith.constant 5 : i32
    %dma_wait3A_90 = tpu.memref_slice %arg3[%add3A_21] : memref<1048576xf32, #tpu.memory_space<hbm>> -> memref<4096xf32, #tpu.memory_space<hbm>>
    %dma_wait3A_91 = tpu.memref_slice %arg6[%dma_wait3A_89] : memref<8x!tpu.dma_semaphore, #tpu.memory_space<semaphore_mem>> -> memref<1x!tpu.dma_semaphore, #tpu.memory_space<semaphore_mem>>
    %dma_wait3A_92 = tpu.memref_squeeze %dma_wait3A_91 : memref<1x!tpu.dma_semaphore, #tpu.memory_space<semaphore_mem>> -> memref<!tpu.dma_semaphore, #tpu.memory_space<semaphore_mem>>
    %dma_wait3A_93 = tpu.memref_slice %arg3[%add3A_21] : memref<1048576xf32, #tpu.memory_space<hbm>> -> memref<4096xf32, #tpu.memory_space<hbm>>
    tpu.wait_dma2 semaphore(%dma_wait3A_92 : memref<!tpu.dma_semaphore, #tpu.memory_space<semaphore_mem>>) src(%arg5 : memref<4096xf32, #tpu.memory_space<vmem>>) dst(%dma_wait3A_93 : memref<4096xf32, #tpu.memory_space<hbm>>)
    %dma_wait3A_94 = arith.constant 6 : i32
    %dma_wait3A_95 = tpu.memref_slice %arg3[%add3A_23] : memref<1048576xf32, #tpu.memory_space<hbm>> -> memref<4096xf32, #tpu.memory_space<hbm>>
    %dma_wait3A_96 = tpu.memref_slice %arg6[%dma_wait3A_94] : memref<8x!tpu.dma_semaphore, #tpu.memory_space<semaphore_mem>> -> memref<1x!tpu.dma_semaphore, #tpu.memory_space<semaphore_mem>>
    %dma_wait3A_97 = tpu.memref_squeeze %dma_wait3A_96 : memref<1x!tpu.dma_semaphore, #tpu.memory_space<semaphore_mem>> -> memref<!tpu.dma_semaphore, #tpu.memory_space<semaphore_mem>>
    %dma_wait3A_98 = tpu.memref_slice %arg3[%add3A_23] : memref<1048576xf32, #tpu.memory_space<hbm>> -> memref<4096xf32, #tpu.memory_space<hbm>>
    tpu.wait_dma2 semaphore(%dma_wait3A_97 : memref<!tpu.dma_semaphore, #tpu.memory_space<semaphore_mem>>) src(%arg5 : memref<4096xf32, #tpu.memory_space<vmem>>) dst(%dma_wait3A_98 : memref<4096xf32, #tpu.memory_space<hbm>>)
    %dma_wait3A_99 = arith.constant 7 : i32
    %dma_wait3A_100 = tpu.memref_slice %arg3[%add3A_25] : memref<1048576xf32, #tpu.memory_space<hbm>> -> memref<4096xf32, #tpu.memory_space<hbm>>
    %dma_wait3A_101 = tpu.memref_slice %arg6[%dma_wait3A_99] : memref<8x!tpu.dma_semaphore, #tpu.memory_space<semaphore_mem>> -> memref<1x!tpu.dma_semaphore, #tpu.memory_space<semaphore_mem>>
    %dma_wait3A_102 = tpu.memref_squeeze %dma_wait3A_101 : memref<1x!tpu.dma_semaphore, #tpu.memory_space<semaphore_mem>> -> memref<!tpu.dma_semaphore, #tpu.memory_space<semaphore_mem>>
    %dma_wait3A_103 = tpu.memref_slice %arg3[%add3A_25] : memref<1048576xf32, #tpu.memory_space<hbm>> -> memref<4096xf32, #tpu.memory_space<hbm>>
    tpu.wait_dma2 semaphore(%dma_wait3A_102 : memref<!tpu.dma_semaphore, #tpu.memory_space<semaphore_mem>>) src(%arg5 : memref<4096xf32, #tpu.memory_space<vmem>>) dst(%dma_wait3A_103 : memref<4096xf32, #tpu.memory_space<hbm>>)
    return
  }
}

module attributes {stable_mosaic.version = 14 : i64} {
  func.func @_reduce_body(%arg0: memref<1024x1024xf32, #tpu.memory_space<any>>, %arg1: memref<16xf32, #tpu.memory_space<smem>>, %arg2: memref<8x128x1024xf32, #tpu.memory_space<vmem>>, %arg3: memref<8x!tpu.dma_semaphore, #tpu.memory_space<semaphore_mem>>) attributes {dimension_semantics = [], scalar_prefetch = 0 : i64, scratch_operands = 2 : i64, tpu.core_type = #tpu.core_type<tc>} {
    %dma_start3A = arith.constant 0 : i32
    %dma_start3A_0 = arith.constant 0 : i32
    %dma_start3A_1 = tpu.memref_slice %arg3[%dma_start3A_0] : memref<8x!tpu.dma_semaphore, #tpu.memory_space<semaphore_mem>> -> memref<1x!tpu.dma_semaphore, #tpu.memory_space<semaphore_mem>>
    %dma_start3A_2 = tpu.memref_squeeze %dma_start3A_1 : memref<1x!tpu.dma_semaphore, #tpu.memory_space<semaphore_mem>> -> memref<!tpu.dma_semaphore, #tpu.memory_space<semaphore_mem>>
    %dma_start3A_3 = arith.constant 0 : i32
    %dma_start3A_4 = arith.constant 0 : i32
    %dma_start3A_5 = tpu.memref_slice %arg2[%dma_start3A, %dma_start3A_3, %dma_start3A_4] : memref<8x128x1024xf32, #tpu.memory_space<vmem>> -> memref<1x128x1024xf32, #tpu.memory_space<vmem>>
    %dma_start3A_6 = tpu.memref_squeeze %dma_start3A_5 : memref<1x128x1024xf32, #tpu.memory_space<vmem>> -> memref<128x1024xf32, #tpu.memory_space<vmem>>
    %dma_start3A_7 = arith.constant 0 : i32
    %dma_start3A_8 = arith.constant 0 : i32
    %dma_start3A_9 = tpu.memref_slice %arg0[%dma_start3A_7, %dma_start3A_8] : memref<1024x1024xf32, #tpu.memory_space<any>> -> memref<128x1024xf32, #tpu.memory_space<any>>
    tpu.enqueue_dma source(%dma_start3A_9 : memref<128x1024xf32, #tpu.memory_space<any>>) target(%dma_start3A_6 : memref<128x1024xf32, #tpu.memory_space<vmem>>) target_semaphore(%dma_start3A_2 : memref<!tpu.dma_semaphore, #tpu.memory_space<semaphore_mem>>)
    %dma_start3A_10 = arith.constant 1 : i32
    %dma_start3A_11 = arith.constant 1 : i32
    %dma_start3A_12 = tpu.memref_slice %arg3[%dma_start3A_11] : memref<8x!tpu.dma_semaphore, #tpu.memory_space<semaphore_mem>> -> memref<1x!tpu.dma_semaphore, #tpu.memory_space<semaphore_mem>>
    %dma_start3A_13 = tpu.memref_squeeze %dma_start3A_12 : memref<1x!tpu.dma_semaphore, #tpu.memory_space<semaphore_mem>> -> memref<!tpu.dma_semaphore, #tpu.memory_space<semaphore_mem>>
    %dma_start3A_14 = arith.constant 0 : i32
    %dma_start3A_15 = arith.constant 0 : i32
    %dma_start3A_16 = tpu.memref_slice %arg2[%dma_start3A_10, %dma_start3A_14, %dma_start3A_15] : memref<8x128x1024xf32, #tpu.memory_space<vmem>> -> memref<1x128x1024xf32, #tpu.memory_space<vmem>>
    %dma_start3A_17 = tpu.memref_squeeze %dma_start3A_16 : memref<1x128x1024xf32, #tpu.memory_space<vmem>> -> memref<128x1024xf32, #tpu.memory_space<vmem>>
    %dma_start3A_18 = arith.constant 128 : i32
    %dma_start3A_19 = arith.constant 0 : i32
    %dma_start3A_20 = tpu.memref_slice %arg0[%dma_start3A_18, %dma_start3A_19] : memref<1024x1024xf32, #tpu.memory_space<any>> -> memref<128x1024xf32, #tpu.memory_space<any>>
    tpu.enqueue_dma source(%dma_start3A_20 : memref<128x1024xf32, #tpu.memory_space<any>>) target(%dma_start3A_17 : memref<128x1024xf32, #tpu.memory_space<vmem>>) target_semaphore(%dma_start3A_13 : memref<!tpu.dma_semaphore, #tpu.memory_space<semaphore_mem>>)
    %dma_start3A_21 = arith.constant 2 : i32
    %dma_start3A_22 = arith.constant 2 : i32
    %dma_start3A_23 = tpu.memref_slice %arg3[%dma_start3A_22] : memref<8x!tpu.dma_semaphore, #tpu.memory_space<semaphore_mem>> -> memref<1x!tpu.dma_semaphore, #tpu.memory_space<semaphore_mem>>
    %dma_start3A_24 = tpu.memref_squeeze %dma_start3A_23 : memref<1x!tpu.dma_semaphore, #tpu.memory_space<semaphore_mem>> -> memref<!tpu.dma_semaphore, #tpu.memory_space<semaphore_mem>>
    %dma_start3A_25 = arith.constant 0 : i32
    %dma_start3A_26 = arith.constant 0 : i32
    %dma_start3A_27 = tpu.memref_slice %arg2[%dma_start3A_21, %dma_start3A_25, %dma_start3A_26] : memref<8x128x1024xf32, #tpu.memory_space<vmem>> -> memref<1x128x1024xf32, #tpu.memory_space<vmem>>
    %dma_start3A_28 = tpu.memref_squeeze %dma_start3A_27 : memref<1x128x1024xf32, #tpu.memory_space<vmem>> -> memref<128x1024xf32, #tpu.memory_space<vmem>>
    %dma_start3A_29 = arith.constant 256 : i32
    %dma_start3A_30 = arith.constant 0 : i32
    %dma_start3A_31 = tpu.memref_slice %arg0[%dma_start3A_29, %dma_start3A_30] : memref<1024x1024xf32, #tpu.memory_space<any>> -> memref<128x1024xf32, #tpu.memory_space<any>>
    tpu.enqueue_dma source(%dma_start3A_31 : memref<128x1024xf32, #tpu.memory_space<any>>) target(%dma_start3A_28 : memref<128x1024xf32, #tpu.memory_space<vmem>>) target_semaphore(%dma_start3A_24 : memref<!tpu.dma_semaphore, #tpu.memory_space<semaphore_mem>>)
    %dma_start3A_32 = arith.constant 3 : i32
    %dma_start3A_33 = arith.constant 3 : i32
    %dma_start3A_34 = tpu.memref_slice %arg3[%dma_start3A_33] : memref<8x!tpu.dma_semaphore, #tpu.memory_space<semaphore_mem>> -> memref<1x!tpu.dma_semaphore, #tpu.memory_space<semaphore_mem>>
    %dma_start3A_35 = tpu.memref_squeeze %dma_start3A_34 : memref<1x!tpu.dma_semaphore, #tpu.memory_space<semaphore_mem>> -> memref<!tpu.dma_semaphore, #tpu.memory_space<semaphore_mem>>
    %dma_start3A_36 = arith.constant 0 : i32
    %dma_start3A_37 = arith.constant 0 : i32
    %dma_start3A_38 = tpu.memref_slice %arg2[%dma_start3A_32, %dma_start3A_36, %dma_start3A_37] : memref<8x128x1024xf32, #tpu.memory_space<vmem>> -> memref<1x128x1024xf32, #tpu.memory_space<vmem>>
    %dma_start3A_39 = tpu.memref_squeeze %dma_start3A_38 : memref<1x128x1024xf32, #tpu.memory_space<vmem>> -> memref<128x1024xf32, #tpu.memory_space<vmem>>
    %dma_start3A_40 = arith.constant 384 : i32
    %dma_start3A_41 = arith.constant 0 : i32
    %dma_start3A_42 = tpu.memref_slice %arg0[%dma_start3A_40, %dma_start3A_41] : memref<1024x1024xf32, #tpu.memory_space<any>> -> memref<128x1024xf32, #tpu.memory_space<any>>
    tpu.enqueue_dma source(%dma_start3A_42 : memref<128x1024xf32, #tpu.memory_space<any>>) target(%dma_start3A_39 : memref<128x1024xf32, #tpu.memory_space<vmem>>) target_semaphore(%dma_start3A_35 : memref<!tpu.dma_semaphore, #tpu.memory_space<semaphore_mem>>)
    %dma_start3A_43 = arith.constant 4 : i32
    %dma_start3A_44 = arith.constant 4 : i32
    %dma_start3A_45 = tpu.memref_slice %arg3[%dma_start3A_44] : memref<8x!tpu.dma_semaphore, #tpu.memory_space<semaphore_mem>> -> memref<1x!tpu.dma_semaphore, #tpu.memory_space<semaphore_mem>>
    %dma_start3A_46 = tpu.memref_squeeze %dma_start3A_45 : memref<1x!tpu.dma_semaphore, #tpu.memory_space<semaphore_mem>> -> memref<!tpu.dma_semaphore, #tpu.memory_space<semaphore_mem>>
    %dma_start3A_47 = arith.constant 0 : i32
    %dma_start3A_48 = arith.constant 0 : i32
    %dma_start3A_49 = tpu.memref_slice %arg2[%dma_start3A_43, %dma_start3A_47, %dma_start3A_48] : memref<8x128x1024xf32, #tpu.memory_space<vmem>> -> memref<1x128x1024xf32, #tpu.memory_space<vmem>>
    %dma_start3A_50 = tpu.memref_squeeze %dma_start3A_49 : memref<1x128x1024xf32, #tpu.memory_space<vmem>> -> memref<128x1024xf32, #tpu.memory_space<vmem>>
    %dma_start3A_51 = arith.constant 512 : i32
    %dma_start3A_52 = arith.constant 0 : i32
    %dma_start3A_53 = tpu.memref_slice %arg0[%dma_start3A_51, %dma_start3A_52] : memref<1024x1024xf32, #tpu.memory_space<any>> -> memref<128x1024xf32, #tpu.memory_space<any>>
    tpu.enqueue_dma source(%dma_start3A_53 : memref<128x1024xf32, #tpu.memory_space<any>>) target(%dma_start3A_50 : memref<128x1024xf32, #tpu.memory_space<vmem>>) target_semaphore(%dma_start3A_46 : memref<!tpu.dma_semaphore, #tpu.memory_space<semaphore_mem>>)
    %dma_start3A_54 = arith.constant 5 : i32
    %dma_start3A_55 = arith.constant 5 : i32
    %dma_start3A_56 = tpu.memref_slice %arg3[%dma_start3A_55] : memref<8x!tpu.dma_semaphore, #tpu.memory_space<semaphore_mem>> -> memref<1x!tpu.dma_semaphore, #tpu.memory_space<semaphore_mem>>
    %dma_start3A_57 = tpu.memref_squeeze %dma_start3A_56 : memref<1x!tpu.dma_semaphore, #tpu.memory_space<semaphore_mem>> -> memref<!tpu.dma_semaphore, #tpu.memory_space<semaphore_mem>>
    %dma_start3A_58 = arith.constant 0 : i32
    %dma_start3A_59 = arith.constant 0 : i32
    %dma_start3A_60 = tpu.memref_slice %arg2[%dma_start3A_54, %dma_start3A_58, %dma_start3A_59] : memref<8x128x1024xf32, #tpu.memory_space<vmem>> -> memref<1x128x1024xf32, #tpu.memory_space<vmem>>
    %dma_start3A_61 = tpu.memref_squeeze %dma_start3A_60 : memref<1x128x1024xf32, #tpu.memory_space<vmem>> -> memref<128x1024xf32, #tpu.memory_space<vmem>>
    %dma_start3A_62 = arith.constant 640 : i32
    %dma_start3A_63 = arith.constant 0 : i32
    %dma_start3A_64 = tpu.memref_slice %arg0[%dma_start3A_62, %dma_start3A_63] : memref<1024x1024xf32, #tpu.memory_space<any>> -> memref<128x1024xf32, #tpu.memory_space<any>>
    tpu.enqueue_dma source(%dma_start3A_64 : memref<128x1024xf32, #tpu.memory_space<any>>) target(%dma_start3A_61 : memref<128x1024xf32, #tpu.memory_space<vmem>>) target_semaphore(%dma_start3A_57 : memref<!tpu.dma_semaphore, #tpu.memory_space<semaphore_mem>>)
    %dma_start3A_65 = arith.constant 6 : i32
    %dma_start3A_66 = arith.constant 6 : i32
    %dma_start3A_67 = tpu.memref_slice %arg3[%dma_start3A_66] : memref<8x!tpu.dma_semaphore, #tpu.memory_space<semaphore_mem>> -> memref<1x!tpu.dma_semaphore, #tpu.memory_space<semaphore_mem>>
    %dma_start3A_68 = tpu.memref_squeeze %dma_start3A_67 : memref<1x!tpu.dma_semaphore, #tpu.memory_space<semaphore_mem>> -> memref<!tpu.dma_semaphore, #tpu.memory_space<semaphore_mem>>
    %dma_start3A_69 = arith.constant 0 : i32
    %dma_start3A_70 = arith.constant 0 : i32
    %dma_start3A_71 = tpu.memref_slice %arg2[%dma_start3A_65, %dma_start3A_69, %dma_start3A_70] : memref<8x128x1024xf32, #tpu.memory_space<vmem>> -> memref<1x128x1024xf32, #tpu.memory_space<vmem>>
    %dma_start3A_72 = tpu.memref_squeeze %dma_start3A_71 : memref<1x128x1024xf32, #tpu.memory_space<vmem>> -> memref<128x1024xf32, #tpu.memory_space<vmem>>
    %dma_start3A_73 = arith.constant 768 : i32
    %dma_start3A_74 = arith.constant 0 : i32
    %dma_start3A_75 = tpu.memref_slice %arg0[%dma_start3A_73, %dma_start3A_74] : memref<1024x1024xf32, #tpu.memory_space<any>> -> memref<128x1024xf32, #tpu.memory_space<any>>
    tpu.enqueue_dma source(%dma_start3A_75 : memref<128x1024xf32, #tpu.memory_space<any>>) target(%dma_start3A_72 : memref<128x1024xf32, #tpu.memory_space<vmem>>) target_semaphore(%dma_start3A_68 : memref<!tpu.dma_semaphore, #tpu.memory_space<semaphore_mem>>)
    %dma_start3A_76 = arith.constant 7 : i32
    %dma_start3A_77 = arith.constant 7 : i32
    %dma_start3A_78 = tpu.memref_slice %arg3[%dma_start3A_77] : memref<8x!tpu.dma_semaphore, #tpu.memory_space<semaphore_mem>> -> memref<1x!tpu.dma_semaphore, #tpu.memory_space<semaphore_mem>>
    %dma_start3A_79 = tpu.memref_squeeze %dma_start3A_78 : memref<1x!tpu.dma_semaphore, #tpu.memory_space<semaphore_mem>> -> memref<!tpu.dma_semaphore, #tpu.memory_space<semaphore_mem>>
    %dma_start3A_80 = arith.constant 0 : i32
    %dma_start3A_81 = arith.constant 0 : i32
    %dma_start3A_82 = tpu.memref_slice %arg2[%dma_start3A_76, %dma_start3A_80, %dma_start3A_81] : memref<8x128x1024xf32, #tpu.memory_space<vmem>> -> memref<1x128x1024xf32, #tpu.memory_space<vmem>>
    %dma_start3A_83 = tpu.memref_squeeze %dma_start3A_82 : memref<1x128x1024xf32, #tpu.memory_space<vmem>> -> memref<128x1024xf32, #tpu.memory_space<vmem>>
    %dma_start3A_84 = arith.constant 896 : i32
    %dma_start3A_85 = arith.constant 0 : i32
    %dma_start3A_86 = tpu.memref_slice %arg0[%dma_start3A_84, %dma_start3A_85] : memref<1024x1024xf32, #tpu.memory_space<any>> -> memref<128x1024xf32, #tpu.memory_space<any>>
    tpu.enqueue_dma source(%dma_start3A_86 : memref<128x1024xf32, #tpu.memory_space<any>>) target(%dma_start3A_83 : memref<128x1024xf32, #tpu.memory_space<vmem>>) target_semaphore(%dma_start3A_79 : memref<!tpu.dma_semaphore, #tpu.memory_space<semaphore_mem>>)
    %dma_wait3A = arith.constant 0 : i32
    %dma_wait3A_87 = arith.constant 0 : i32
    %dma_wait3A_88 = tpu.memref_slice %arg3[%dma_wait3A_87] : memref<8x!tpu.dma_semaphore, #tpu.memory_space<semaphore_mem>> -> memref<1x!tpu.dma_semaphore, #tpu.memory_space<semaphore_mem>>
    %dma_wait3A_89 = tpu.memref_squeeze %dma_wait3A_88 : memref<1x!tpu.dma_semaphore, #tpu.memory_space<semaphore_mem>> -> memref<!tpu.dma_semaphore, #tpu.memory_space<semaphore_mem>>
    %dma_wait3A_90 = arith.constant 0 : i32
    %dma_wait3A_91 = arith.constant 0 : i32
    %dma_wait3A_92 = tpu.memref_slice %arg2[%dma_wait3A, %dma_wait3A_90, %dma_wait3A_91] : memref<8x128x1024xf32, #tpu.memory_space<vmem>> -> memref<1x128x1024xf32, #tpu.memory_space<vmem>>
    %dma_wait3A_93 = tpu.memref_squeeze %dma_wait3A_92 : memref<1x128x1024xf32, #tpu.memory_space<vmem>> -> memref<128x1024xf32, #tpu.memory_space<vmem>>
    %dma_wait3A_94 = arith.constant 0 : i32
    %dma_wait3A_95 = arith.constant 0 : i32
    %dma_wait3A_96 = tpu.memref_slice %arg0[%dma_wait3A_94, %dma_wait3A_95] : memref<1024x1024xf32, #tpu.memory_space<any>> -> memref<128x1024xf32, #tpu.memory_space<any>>
    tpu.wait_dma2 semaphore(%dma_wait3A_89 : memref<!tpu.dma_semaphore, #tpu.memory_space<semaphore_mem>>) src(%dma_wait3A_96 : memref<128x1024xf32, #tpu.memory_space<any>>) dst(%dma_wait3A_93 : memref<128x1024xf32, #tpu.memory_space<vmem>>)
    %get3A = arith.constant 0 : index
    %get3A_97 = arith.constant 0 : index
    %get3A_98 = arith.constant 0 : index
    %get3A_99 = vector.load %arg2[%get3A, %get3A_97, %get3A_98] : memref<8x128x1024xf32, #tpu.memory_space<vmem>>, vector<1x128x1024xf32>
    %get3A_100 = vector.shape_cast %get3A_99 : vector<1x128x1024xf32> to vector<128x1024xf32>
    %reduce_sum3A = vector.shape_cast %get3A_100 : vector<128x1024xf32> to vector<1x128x1024xf32>
    %reduce_sum3A_101 = arith.constant dense<0.000000e+00> : vector<1xf32>
    %reduce_sum3A_102 = vector.multi_reduction <add>, %reduce_sum3A, %reduce_sum3A_101 [1, 2] : vector<1x128x1024xf32> to vector<1xf32>
    %reduce_sum3A_103 = vector.shape_cast %reduce_sum3A_102 : vector<1xf32> to vector<1x1x1xf32>
    %reduce_sum3A_104 = vector.extract %reduce_sum3A_103[0, 0, 0] : f32 from vector<1x1x1xf32>
    %add3A = arith.constant 0.000000e+00 : f32
    %add3A_105 = arith.addf %add3A, %reduce_sum3A_104 : f32
    %dma_wait3A_106 = arith.constant 1 : i32
    %dma_wait3A_107 = arith.constant 1 : i32
    %dma_wait3A_108 = tpu.memref_slice %arg3[%dma_wait3A_107] : memref<8x!tpu.dma_semaphore, #tpu.memory_space<semaphore_mem>> -> memref<1x!tpu.dma_semaphore, #tpu.memory_space<semaphore_mem>>
    %dma_wait3A_109 = tpu.memref_squeeze %dma_wait3A_108 : memref<1x!tpu.dma_semaphore, #tpu.memory_space<semaphore_mem>> -> memref<!tpu.dma_semaphore, #tpu.memory_space<semaphore_mem>>
    %dma_wait3A_110 = arith.constant 0 : i32
    %dma_wait3A_111 = arith.constant 0 : i32
    %dma_wait3A_112 = tpu.memref_slice %arg2[%dma_wait3A_106, %dma_wait3A_110, %dma_wait3A_111] : memref<8x128x1024xf32, #tpu.memory_space<vmem>> -> memref<1x128x1024xf32, #tpu.memory_space<vmem>>
    %dma_wait3A_113 = tpu.memref_squeeze %dma_wait3A_112 : memref<1x128x1024xf32, #tpu.memory_space<vmem>> -> memref<128x1024xf32, #tpu.memory_space<vmem>>
    %dma_wait3A_114 = arith.constant 128 : i32
    %dma_wait3A_115 = arith.constant 0 : i32
    %dma_wait3A_116 = tpu.memref_slice %arg0[%dma_wait3A_114, %dma_wait3A_115] : memref<1024x1024xf32, #tpu.memory_space<any>> -> memref<128x1024xf32, #tpu.memory_space<any>>
    tpu.wait_dma2 semaphore(%dma_wait3A_109 : memref<!tpu.dma_semaphore, #tpu.memory_space<semaphore_mem>>) src(%dma_wait3A_116 : memref<128x1024xf32, #tpu.memory_space<any>>) dst(%dma_wait3A_113 : memref<128x1024xf32, #tpu.memory_space<vmem>>)
    %get3A_117 = arith.constant 1 : index
    %get3A_118 = arith.constant 0 : index
    %get3A_119 = arith.constant 0 : index
    %get3A_120 = vector.load %arg2[%get3A_117, %get3A_118, %get3A_119] : memref<8x128x1024xf32, #tpu.memory_space<vmem>>, vector<1x128x1024xf32>
    %get3A_121 = vector.shape_cast %get3A_120 : vector<1x128x1024xf32> to vector<128x1024xf32>
    %reduce_sum3A_122 = vector.shape_cast %get3A_121 : vector<128x1024xf32> to vector<1x128x1024xf32>
    %reduce_sum3A_123 = arith.constant dense<0.000000e+00> : vector<1xf32>
    %reduce_sum3A_124 = vector.multi_reduction <add>, %reduce_sum3A_122, %reduce_sum3A_123 [1, 2] : vector<1x128x1024xf32> to vector<1xf32>
    %reduce_sum3A_125 = vector.shape_cast %reduce_sum3A_124 : vector<1xf32> to vector<1x1x1xf32>
    %reduce_sum3A_126 = vector.extract %reduce_sum3A_125[0, 0, 0] : f32 from vector<1x1x1xf32>
    %add3A_127 = arith.addf %add3A_105, %reduce_sum3A_126 : f32
    %dma_wait3A_128 = arith.constant 2 : i32
    %dma_wait3A_129 = arith.constant 2 : i32
    %dma_wait3A_130 = tpu.memref_slice %arg3[%dma_wait3A_129] : memref<8x!tpu.dma_semaphore, #tpu.memory_space<semaphore_mem>> -> memref<1x!tpu.dma_semaphore, #tpu.memory_space<semaphore_mem>>
    %dma_wait3A_131 = tpu.memref_squeeze %dma_wait3A_130 : memref<1x!tpu.dma_semaphore, #tpu.memory_space<semaphore_mem>> -> memref<!tpu.dma_semaphore, #tpu.memory_space<semaphore_mem>>
    %dma_wait3A_132 = arith.constant 0 : i32
    %dma_wait3A_133 = arith.constant 0 : i32
    %dma_wait3A_134 = tpu.memref_slice %arg2[%dma_wait3A_128, %dma_wait3A_132, %dma_wait3A_133] : memref<8x128x1024xf32, #tpu.memory_space<vmem>> -> memref<1x128x1024xf32, #tpu.memory_space<vmem>>
    %dma_wait3A_135 = tpu.memref_squeeze %dma_wait3A_134 : memref<1x128x1024xf32, #tpu.memory_space<vmem>> -> memref<128x1024xf32, #tpu.memory_space<vmem>>
    %dma_wait3A_136 = arith.constant 256 : i32
    %dma_wait3A_137 = arith.constant 0 : i32
    %dma_wait3A_138 = tpu.memref_slice %arg0[%dma_wait3A_136, %dma_wait3A_137] : memref<1024x1024xf32, #tpu.memory_space<any>> -> memref<128x1024xf32, #tpu.memory_space<any>>
    tpu.wait_dma2 semaphore(%dma_wait3A_131 : memref<!tpu.dma_semaphore, #tpu.memory_space<semaphore_mem>>) src(%dma_wait3A_138 : memref<128x1024xf32, #tpu.memory_space<any>>) dst(%dma_wait3A_135 : memref<128x1024xf32, #tpu.memory_space<vmem>>)
    %get3A_139 = arith.constant 2 : index
    %get3A_140 = arith.constant 0 : index
    %get3A_141 = arith.constant 0 : index
    %get3A_142 = vector.load %arg2[%get3A_139, %get3A_140, %get3A_141] : memref<8x128x1024xf32, #tpu.memory_space<vmem>>, vector<1x128x1024xf32>
    %get3A_143 = vector.shape_cast %get3A_142 : vector<1x128x1024xf32> to vector<128x1024xf32>
    %reduce_sum3A_144 = vector.shape_cast %get3A_143 : vector<128x1024xf32> to vector<1x128x1024xf32>
    %reduce_sum3A_145 = arith.constant dense<0.000000e+00> : vector<1xf32>
    %reduce_sum3A_146 = vector.multi_reduction <add>, %reduce_sum3A_144, %reduce_sum3A_145 [1, 2] : vector<1x128x1024xf32> to vector<1xf32>
    %reduce_sum3A_147 = vector.shape_cast %reduce_sum3A_146 : vector<1xf32> to vector<1x1x1xf32>
    %reduce_sum3A_148 = vector.extract %reduce_sum3A_147[0, 0, 0] : f32 from vector<1x1x1xf32>
    %add3A_149 = arith.addf %add3A_127, %reduce_sum3A_148 : f32
    %dma_wait3A_150 = arith.constant 3 : i32
    %dma_wait3A_151 = arith.constant 3 : i32
    %dma_wait3A_152 = tpu.memref_slice %arg3[%dma_wait3A_151] : memref<8x!tpu.dma_semaphore, #tpu.memory_space<semaphore_mem>> -> memref<1x!tpu.dma_semaphore, #tpu.memory_space<semaphore_mem>>
    %dma_wait3A_153 = tpu.memref_squeeze %dma_wait3A_152 : memref<1x!tpu.dma_semaphore, #tpu.memory_space<semaphore_mem>> -> memref<!tpu.dma_semaphore, #tpu.memory_space<semaphore_mem>>
    %dma_wait3A_154 = arith.constant 0 : i32
    %dma_wait3A_155 = arith.constant 0 : i32
    %dma_wait3A_156 = tpu.memref_slice %arg2[%dma_wait3A_150, %dma_wait3A_154, %dma_wait3A_155] : memref<8x128x1024xf32, #tpu.memory_space<vmem>> -> memref<1x128x1024xf32, #tpu.memory_space<vmem>>
    %dma_wait3A_157 = tpu.memref_squeeze %dma_wait3A_156 : memref<1x128x1024xf32, #tpu.memory_space<vmem>> -> memref<128x1024xf32, #tpu.memory_space<vmem>>
    %dma_wait3A_158 = arith.constant 384 : i32
    %dma_wait3A_159 = arith.constant 0 : i32
    %dma_wait3A_160 = tpu.memref_slice %arg0[%dma_wait3A_158, %dma_wait3A_159] : memref<1024x1024xf32, #tpu.memory_space<any>> -> memref<128x1024xf32, #tpu.memory_space<any>>
    tpu.wait_dma2 semaphore(%dma_wait3A_153 : memref<!tpu.dma_semaphore, #tpu.memory_space<semaphore_mem>>) src(%dma_wait3A_160 : memref<128x1024xf32, #tpu.memory_space<any>>) dst(%dma_wait3A_157 : memref<128x1024xf32, #tpu.memory_space<vmem>>)
    %get3A_161 = arith.constant 3 : index
    %get3A_162 = arith.constant 0 : index
    %get3A_163 = arith.constant 0 : index
    %get3A_164 = vector.load %arg2[%get3A_161, %get3A_162, %get3A_163] : memref<8x128x1024xf32, #tpu.memory_space<vmem>>, vector<1x128x1024xf32>
    %get3A_165 = vector.shape_cast %get3A_164 : vector<1x128x1024xf32> to vector<128x1024xf32>
    %reduce_sum3A_166 = vector.shape_cast %get3A_165 : vector<128x1024xf32> to vector<1x128x1024xf32>
    %reduce_sum3A_167 = arith.constant dense<0.000000e+00> : vector<1xf32>
    %reduce_sum3A_168 = vector.multi_reduction <add>, %reduce_sum3A_166, %reduce_sum3A_167 [1, 2] : vector<1x128x1024xf32> to vector<1xf32>
    %reduce_sum3A_169 = vector.shape_cast %reduce_sum3A_168 : vector<1xf32> to vector<1x1x1xf32>
    %reduce_sum3A_170 = vector.extract %reduce_sum3A_169[0, 0, 0] : f32 from vector<1x1x1xf32>
    %add3A_171 = arith.addf %add3A_149, %reduce_sum3A_170 : f32
    %dma_wait3A_172 = arith.constant 4 : i32
    %dma_wait3A_173 = arith.constant 4 : i32
    %dma_wait3A_174 = tpu.memref_slice %arg3[%dma_wait3A_173] : memref<8x!tpu.dma_semaphore, #tpu.memory_space<semaphore_mem>> -> memref<1x!tpu.dma_semaphore, #tpu.memory_space<semaphore_mem>>
    %dma_wait3A_175 = tpu.memref_squeeze %dma_wait3A_174 : memref<1x!tpu.dma_semaphore, #tpu.memory_space<semaphore_mem>> -> memref<!tpu.dma_semaphore, #tpu.memory_space<semaphore_mem>>
    %dma_wait3A_176 = arith.constant 0 : i32
    %dma_wait3A_177 = arith.constant 0 : i32
    %dma_wait3A_178 = tpu.memref_slice %arg2[%dma_wait3A_172, %dma_wait3A_176, %dma_wait3A_177] : memref<8x128x1024xf32, #tpu.memory_space<vmem>> -> memref<1x128x1024xf32, #tpu.memory_space<vmem>>
    %dma_wait3A_179 = tpu.memref_squeeze %dma_wait3A_178 : memref<1x128x1024xf32, #tpu.memory_space<vmem>> -> memref<128x1024xf32, #tpu.memory_space<vmem>>
    %dma_wait3A_180 = arith.constant 512 : i32
    %dma_wait3A_181 = arith.constant 0 : i32
    %dma_wait3A_182 = tpu.memref_slice %arg0[%dma_wait3A_180, %dma_wait3A_181] : memref<1024x1024xf32, #tpu.memory_space<any>> -> memref<128x1024xf32, #tpu.memory_space<any>>
    tpu.wait_dma2 semaphore(%dma_wait3A_175 : memref<!tpu.dma_semaphore, #tpu.memory_space<semaphore_mem>>) src(%dma_wait3A_182 : memref<128x1024xf32, #tpu.memory_space<any>>) dst(%dma_wait3A_179 : memref<128x1024xf32, #tpu.memory_space<vmem>>)
    %get3A_183 = arith.constant 4 : index
    %get3A_184 = arith.constant 0 : index
    %get3A_185 = arith.constant 0 : index
    %get3A_186 = vector.load %arg2[%get3A_183, %get3A_184, %get3A_185] : memref<8x128x1024xf32, #tpu.memory_space<vmem>>, vector<1x128x1024xf32>
    %get3A_187 = vector.shape_cast %get3A_186 : vector<1x128x1024xf32> to vector<128x1024xf32>
    %reduce_sum3A_188 = vector.shape_cast %get3A_187 : vector<128x1024xf32> to vector<1x128x1024xf32>
    %reduce_sum3A_189 = arith.constant dense<0.000000e+00> : vector<1xf32>
    %reduce_sum3A_190 = vector.multi_reduction <add>, %reduce_sum3A_188, %reduce_sum3A_189 [1, 2] : vector<1x128x1024xf32> to vector<1xf32>
    %reduce_sum3A_191 = vector.shape_cast %reduce_sum3A_190 : vector<1xf32> to vector<1x1x1xf32>
    %reduce_sum3A_192 = vector.extract %reduce_sum3A_191[0, 0, 0] : f32 from vector<1x1x1xf32>
    %add3A_193 = arith.addf %add3A_171, %reduce_sum3A_192 : f32
    %dma_wait3A_194 = arith.constant 5 : i32
    %dma_wait3A_195 = arith.constant 5 : i32
    %dma_wait3A_196 = tpu.memref_slice %arg3[%dma_wait3A_195] : memref<8x!tpu.dma_semaphore, #tpu.memory_space<semaphore_mem>> -> memref<1x!tpu.dma_semaphore, #tpu.memory_space<semaphore_mem>>
    %dma_wait3A_197 = tpu.memref_squeeze %dma_wait3A_196 : memref<1x!tpu.dma_semaphore, #tpu.memory_space<semaphore_mem>> -> memref<!tpu.dma_semaphore, #tpu.memory_space<semaphore_mem>>
    %dma_wait3A_198 = arith.constant 0 : i32
    %dma_wait3A_199 = arith.constant 0 : i32
    %dma_wait3A_200 = tpu.memref_slice %arg2[%dma_wait3A_194, %dma_wait3A_198, %dma_wait3A_199] : memref<8x128x1024xf32, #tpu.memory_space<vmem>> -> memref<1x128x1024xf32, #tpu.memory_space<vmem>>
    %dma_wait3A_201 = tpu.memref_squeeze %dma_wait3A_200 : memref<1x128x1024xf32, #tpu.memory_space<vmem>> -> memref<128x1024xf32, #tpu.memory_space<vmem>>
    %dma_wait3A_202 = arith.constant 640 : i32
    %dma_wait3A_203 = arith.constant 0 : i32
    %dma_wait3A_204 = tpu.memref_slice %arg0[%dma_wait3A_202, %dma_wait3A_203] : memref<1024x1024xf32, #tpu.memory_space<any>> -> memref<128x1024xf32, #tpu.memory_space<any>>
    tpu.wait_dma2 semaphore(%dma_wait3A_197 : memref<!tpu.dma_semaphore, #tpu.memory_space<semaphore_mem>>) src(%dma_wait3A_204 : memref<128x1024xf32, #tpu.memory_space<any>>) dst(%dma_wait3A_201 : memref<128x1024xf32, #tpu.memory_space<vmem>>)
    %get3A_205 = arith.constant 5 : index
    %get3A_206 = arith.constant 0 : index
    %get3A_207 = arith.constant 0 : index
    %get3A_208 = vector.load %arg2[%get3A_205, %get3A_206, %get3A_207] : memref<8x128x1024xf32, #tpu.memory_space<vmem>>, vector<1x128x1024xf32>
    %get3A_209 = vector.shape_cast %get3A_208 : vector<1x128x1024xf32> to vector<128x1024xf32>
    %reduce_sum3A_210 = vector.shape_cast %get3A_209 : vector<128x1024xf32> to vector<1x128x1024xf32>
    %reduce_sum3A_211 = arith.constant dense<0.000000e+00> : vector<1xf32>
    %reduce_sum3A_212 = vector.multi_reduction <add>, %reduce_sum3A_210, %reduce_sum3A_211 [1, 2] : vector<1x128x1024xf32> to vector<1xf32>
    %reduce_sum3A_213 = vector.shape_cast %reduce_sum3A_212 : vector<1xf32> to vector<1x1x1xf32>
    %reduce_sum3A_214 = vector.extract %reduce_sum3A_213[0, 0, 0] : f32 from vector<1x1x1xf32>
    %add3A_215 = arith.addf %add3A_193, %reduce_sum3A_214 : f32
    %dma_wait3A_216 = arith.constant 6 : i32
    %dma_wait3A_217 = arith.constant 6 : i32
    %dma_wait3A_218 = tpu.memref_slice %arg3[%dma_wait3A_217] : memref<8x!tpu.dma_semaphore, #tpu.memory_space<semaphore_mem>> -> memref<1x!tpu.dma_semaphore, #tpu.memory_space<semaphore_mem>>
    %dma_wait3A_219 = tpu.memref_squeeze %dma_wait3A_218 : memref<1x!tpu.dma_semaphore, #tpu.memory_space<semaphore_mem>> -> memref<!tpu.dma_semaphore, #tpu.memory_space<semaphore_mem>>
    %dma_wait3A_220 = arith.constant 0 : i32
    %dma_wait3A_221 = arith.constant 0 : i32
    %dma_wait3A_222 = tpu.memref_slice %arg2[%dma_wait3A_216, %dma_wait3A_220, %dma_wait3A_221] : memref<8x128x1024xf32, #tpu.memory_space<vmem>> -> memref<1x128x1024xf32, #tpu.memory_space<vmem>>
    %dma_wait3A_223 = tpu.memref_squeeze %dma_wait3A_222 : memref<1x128x1024xf32, #tpu.memory_space<vmem>> -> memref<128x1024xf32, #tpu.memory_space<vmem>>
    %dma_wait3A_224 = arith.constant 768 : i32
    %dma_wait3A_225 = arith.constant 0 : i32
    %dma_wait3A_226 = tpu.memref_slice %arg0[%dma_wait3A_224, %dma_wait3A_225] : memref<1024x1024xf32, #tpu.memory_space<any>> -> memref<128x1024xf32, #tpu.memory_space<any>>
    tpu.wait_dma2 semaphore(%dma_wait3A_219 : memref<!tpu.dma_semaphore, #tpu.memory_space<semaphore_mem>>) src(%dma_wait3A_226 : memref<128x1024xf32, #tpu.memory_space<any>>) dst(%dma_wait3A_223 : memref<128x1024xf32, #tpu.memory_space<vmem>>)
    %get3A_227 = arith.constant 6 : index
    %get3A_228 = arith.constant 0 : index
    %get3A_229 = arith.constant 0 : index
    %get3A_230 = vector.load %arg2[%get3A_227, %get3A_228, %get3A_229] : memref<8x128x1024xf32, #tpu.memory_space<vmem>>, vector<1x128x1024xf32>
    %get3A_231 = vector.shape_cast %get3A_230 : vector<1x128x1024xf32> to vector<128x1024xf32>
    %reduce_sum3A_232 = vector.shape_cast %get3A_231 : vector<128x1024xf32> to vector<1x128x1024xf32>
    %reduce_sum3A_233 = arith.constant dense<0.000000e+00> : vector<1xf32>
    %reduce_sum3A_234 = vector.multi_reduction <add>, %reduce_sum3A_232, %reduce_sum3A_233 [1, 2] : vector<1x128x1024xf32> to vector<1xf32>
    %reduce_sum3A_235 = vector.shape_cast %reduce_sum3A_234 : vector<1xf32> to vector<1x1x1xf32>
    %reduce_sum3A_236 = vector.extract %reduce_sum3A_235[0, 0, 0] : f32 from vector<1x1x1xf32>
    %add3A_237 = arith.addf %add3A_215, %reduce_sum3A_236 : f32
    %dma_wait3A_238 = arith.constant 7 : i32
    %dma_wait3A_239 = arith.constant 7 : i32
    %dma_wait3A_240 = tpu.memref_slice %arg3[%dma_wait3A_239] : memref<8x!tpu.dma_semaphore, #tpu.memory_space<semaphore_mem>> -> memref<1x!tpu.dma_semaphore, #tpu.memory_space<semaphore_mem>>
    %dma_wait3A_241 = tpu.memref_squeeze %dma_wait3A_240 : memref<1x!tpu.dma_semaphore, #tpu.memory_space<semaphore_mem>> -> memref<!tpu.dma_semaphore, #tpu.memory_space<semaphore_mem>>
    %dma_wait3A_242 = arith.constant 0 : i32
    %dma_wait3A_243 = arith.constant 0 : i32
    %dma_wait3A_244 = tpu.memref_slice %arg2[%dma_wait3A_238, %dma_wait3A_242, %dma_wait3A_243] : memref<8x128x1024xf32, #tpu.memory_space<vmem>> -> memref<1x128x1024xf32, #tpu.memory_space<vmem>>
    %dma_wait3A_245 = tpu.memref_squeeze %dma_wait3A_244 : memref<1x128x1024xf32, #tpu.memory_space<vmem>> -> memref<128x1024xf32, #tpu.memory_space<vmem>>
    %dma_wait3A_246 = arith.constant 896 : i32
    %dma_wait3A_247 = arith.constant 0 : i32
    %dma_wait3A_248 = tpu.memref_slice %arg0[%dma_wait3A_246, %dma_wait3A_247] : memref<1024x1024xf32, #tpu.memory_space<any>> -> memref<128x1024xf32, #tpu.memory_space<any>>
    tpu.wait_dma2 semaphore(%dma_wait3A_241 : memref<!tpu.dma_semaphore, #tpu.memory_space<semaphore_mem>>) src(%dma_wait3A_248 : memref<128x1024xf32, #tpu.memory_space<any>>) dst(%dma_wait3A_245 : memref<128x1024xf32, #tpu.memory_space<vmem>>)
    %get3A_249 = arith.constant 7 : index
    %get3A_250 = arith.constant 0 : index
    %get3A_251 = arith.constant 0 : index
    %get3A_252 = vector.load %arg2[%get3A_249, %get3A_250, %get3A_251] : memref<8x128x1024xf32, #tpu.memory_space<vmem>>, vector<1x128x1024xf32>
    %get3A_253 = vector.shape_cast %get3A_252 : vector<1x128x1024xf32> to vector<128x1024xf32>
    %reduce_sum3A_254 = vector.shape_cast %get3A_253 : vector<128x1024xf32> to vector<1x128x1024xf32>
    %reduce_sum3A_255 = arith.constant dense<0.000000e+00> : vector<1xf32>
    %reduce_sum3A_256 = vector.multi_reduction <add>, %reduce_sum3A_254, %reduce_sum3A_255 [1, 2] : vector<1x128x1024xf32> to vector<1xf32>
    %reduce_sum3A_257 = vector.shape_cast %reduce_sum3A_256 : vector<1xf32> to vector<1x1x1xf32>
    %reduce_sum3A_258 = vector.extract %reduce_sum3A_257[0, 0, 0] : f32 from vector<1x1x1xf32>
    %add3A_259 = arith.addf %add3A_237, %reduce_sum3A_258 : f32
    %mul3A = arith.constant 1.01007545 : f32
    %mul3A_260 = arith.mulf %add3A_259, %mul3A : f32
    %swap3A = arith.constant 0 : index
    %swap3A_261 = memref.load %arg1[%swap3A] : memref<16xf32, #tpu.memory_space<smem>>
    memref.store %mul3A_260, %arg1[%swap3A] : memref<16xf32, #tpu.memory_space<smem>>
    %swap3A_262 = arith.constant 1 : index
    %swap3A_263 = memref.load %arg1[%swap3A_262] : memref<16xf32, #tpu.memory_space<smem>>
    memref.store %mul3A_260, %arg1[%swap3A_262] : memref<16xf32, #tpu.memory_space<smem>>
    %swap3A_264 = arith.constant 2 : index
    %swap3A_265 = memref.load %arg1[%swap3A_264] : memref<16xf32, #tpu.memory_space<smem>>
    memref.store %mul3A_260, %arg1[%swap3A_264] : memref<16xf32, #tpu.memory_space<smem>>
    %swap3A_266 = arith.constant 3 : index
    %swap3A_267 = memref.load %arg1[%swap3A_266] : memref<16xf32, #tpu.memory_space<smem>>
    memref.store %mul3A_260, %arg1[%swap3A_266] : memref<16xf32, #tpu.memory_space<smem>>
    %swap3A_268 = arith.constant 4 : index
    %swap3A_269 = memref.load %arg1[%swap3A_268] : memref<16xf32, #tpu.memory_space<smem>>
    memref.store %mul3A_260, %arg1[%swap3A_268] : memref<16xf32, #tpu.memory_space<smem>>
    %swap3A_270 = arith.constant 5 : index
    %swap3A_271 = memref.load %arg1[%swap3A_270] : memref<16xf32, #tpu.memory_space<smem>>
    memref.store %mul3A_260, %arg1[%swap3A_270] : memref<16xf32, #tpu.memory_space<smem>>
    %swap3A_272 = arith.constant 6 : index
    %swap3A_273 = memref.load %arg1[%swap3A_272] : memref<16xf32, #tpu.memory_space<smem>>
    memref.store %mul3A_260, %arg1[%swap3A_272] : memref<16xf32, #tpu.memory_space<smem>>
    %swap3A_274 = arith.constant 7 : index
    %swap3A_275 = memref.load %arg1[%swap3A_274] : memref<16xf32, #tpu.memory_space<smem>>
    memref.store %mul3A_260, %arg1[%swap3A_274] : memref<16xf32, #tpu.memory_space<smem>>
    %swap3A_276 = arith.constant 8 : index
    %swap3A_277 = memref.load %arg1[%swap3A_276] : memref<16xf32, #tpu.memory_space<smem>>
    memref.store %mul3A_260, %arg1[%swap3A_276] : memref<16xf32, #tpu.memory_space<smem>>
    %swap3A_278 = arith.constant 9 : index
    %swap3A_279 = memref.load %arg1[%swap3A_278] : memref<16xf32, #tpu.memory_space<smem>>
    memref.store %mul3A_260, %arg1[%swap3A_278] : memref<16xf32, #tpu.memory_space<smem>>
    %swap3A_280 = arith.constant 10 : index
    %swap3A_281 = memref.load %arg1[%swap3A_280] : memref<16xf32, #tpu.memory_space<smem>>
    memref.store %mul3A_260, %arg1[%swap3A_280] : memref<16xf32, #tpu.memory_space<smem>>
    %swap3A_282 = arith.constant 11 : index
    %swap3A_283 = memref.load %arg1[%swap3A_282] : memref<16xf32, #tpu.memory_space<smem>>
    memref.store %mul3A_260, %arg1[%swap3A_282] : memref<16xf32, #tpu.memory_space<smem>>
    %swap3A_284 = arith.constant 12 : index
    %swap3A_285 = memref.load %arg1[%swap3A_284] : memref<16xf32, #tpu.memory_space<smem>>
    memref.store %mul3A_260, %arg1[%swap3A_284] : memref<16xf32, #tpu.memory_space<smem>>
    %swap3A_286 = arith.constant 13 : index
    %swap3A_287 = memref.load %arg1[%swap3A_286] : memref<16xf32, #tpu.memory_space<smem>>
    memref.store %mul3A_260, %arg1[%swap3A_286] : memref<16xf32, #tpu.memory_space<smem>>
    %swap3A_288 = arith.constant 14 : index
    %swap3A_289 = memref.load %arg1[%swap3A_288] : memref<16xf32, #tpu.memory_space<smem>>
    memref.store %mul3A_260, %arg1[%swap3A_288] : memref<16xf32, #tpu.memory_space<smem>>
    %swap3A_290 = arith.constant 15 : index
    %swap3A_291 = memref.load %arg1[%swap3A_290] : memref<16xf32, #tpu.memory_space<smem>>
    memref.store %mul3A_260, %arg1[%swap3A_290] : memref<16xf32, #tpu.memory_space<smem>>
    return
  }
}

</mosaic_0001>

<sc_bundles>
// kernel: kernel.4.cloned.1.call-start
scs
__scs_entry_jumppad:
0x0: {  	(pc) =	sbr.rel $0x88, $3  }
0x1: {  	(tag) =	ssettag $0x0;
	lr =	simm.s32 $0x1  }
0x2: {  	[smem:$0x3FA0] =	sst lr;
	_ =	strace $0xD0000000  }
0x3: {  	_ = 	snop  }
0x4: {  	_ = 	snop  }
0x5: {  	_ = 	snop  }
0x6: {  	_ = 	snop  }
0x7: {  	_ = 	snop  }
__scs_overlays_trampoline_lowered:
0x8: {  	[smem:$0x3FAF] =	sst s0  }
0x9: {  	[smem:$0x3FB0] =	sst s1  }
0xa: {  	[smem:$0x3FB1] =	sst s2  }
0xb: {  	[smem:$0x3FB2] =	sst s3  }
0xc: {  	[smem:$0x3FB3] =	sst s4  }
0xd: {  	[smem:$0x3FB4] =	sst s5  }
0xe: {  	[smem:$0x3FB5] =	sst s6  }
0xf: {  	[smem:$0x3FB6] =	sst s7  }
0x10: {  	[smem:$0x3FB7] =	sst s8  }
0x11: {  	[smem:$0x3FB8] =	sst s9;
	s0 =	simm.s32 @!p0 $0x0  }
0x12: {  	s1 =	sld [smem:$0x3F9E];
	s0 =	simm.s32 @p0 $0x1  }
0x13: {  	[smem:$0x3FB9] =	sst s0;
	s0 =	simm.s32 @!p1 $0x0  }
0x14: {  	s2 =	sld [smem:$0x3F9D];
	s0 =	simm.s32 @p1 $0x1  }
0x15: {  	[smem:$0x3FBA] =	sst s0;
	s0 =	simm.s32 @!p2 $0x0  }
0x16: {  	s3 =	sld [smem:$0x3FDB];
	s0 =	simm.s32 @p2 $0x1  }
0x17: {  	s4 =	simm.s32 $0x1BF5;
	[smem:$0x3FBC] =	sst s0  }
0x18: {  	s0 =	sld [smem:$0x3F9F];
	_ =	swait.ge [sflag:s4], $0x0  }
0x19: {  	s7 =	sld [smem:$0x3FA0]  }
0x1a: {  	s8 =	sadd.s32 $0xFFFFE003, lr  }
0x1b: {  	s9 =	sadd.s32 $0xFFFFFEF7, lr;
	s5 =	simm.s32 $0xFFFFFFFF;
	p2 =	slt.u32 s8, $0xFFFFF086  }
0x1c: {  	p1 =	slt.u32 s9, $0xF7A;
	s5 =	simm.s32 @!p2 $0x0  }
0x1d: {  	s5 =	simm.s32 @p1 $0x1;
	p0 =	seq.s32 s7, s2  }
0x1e: {  	s7 =	smul.u32 @!p0 $0xF7A, s2;
	p2 =	seq.s32 @!p0 s5, $0x0  }
0x1f: {  	s9 =	smul.u32 $0xF7A, s1;
	s8 =	simm.s32 @!p0 $0x1BF5;
	p2 =	por !p2, p0  }
0x20: {  	[sflag:s8] =	ssyncset.s32 @!p0 $0xFFFFF086;
	s6 =	sadd.s32 @!p0 s3, s7;
	s7 =	simm.s32 @!p0 $0x108  }
0x21: {  	s3 =	sadd.s32 s3, s9;
	s6 =	sadd.s32 @!p0 $0x88, s6;
	s7 =	simm.s32 @p2 $0x1082  }
0x22: {  	[simem:s7], [sflag:s8] =	dma.local @!p0 [hbm:s6], $0xF7A  }
0x23: {  	s9 =	sor.u32 $0xD0000000, s2;
	s6 =	simm.s32 $0x108;
	_ =	swait.ge @!p0 [sflag:s8], $0x0  }
0x24: {  	s3 =	sadd.s32 $0x88, s3;
	s6 =	simm.s32 @!p1 $0x1082;
	[sflag:s4] =	ssyncset.s32 $0xFFFFF086  }
0x25: {  	[simem:s6], [sflag:s4] =	dma.local [hbm:s3], $0xF7A  }
0x26: {  	[smem:$0x3FA0] =	sst s1;
	(tag) =	ssettag s2;
	_ =	strace s9  }
0x27: {  	s1 =	sld [smem:$0x3FB0]  }
0x28: {  	s2 =	sld [smem:$0x3FB1]  }
0x29: {  	s4 =	sld [smem:$0x3FB3]  }
0x2a: {  	p0 =	seq.s32 s5, $0x0;
	s5 =	sld [smem:$0x3FB4]  }
0x2b: {  	s6 =	sld [smem:$0x3FB5]  }
0x2c: {  	s7 =	sld [smem:$0x3FB6]  }
0x2d: {  	s3 =	simm.s32 $0x108;
	s8 =	sld [smem:$0x3FB7]  }
0x2e: {  	s3 =	simm.s32 @!p0 $0x1082;
	s9 =	sld [smem:$0x3FB8]  }
0x2f: {  	lr =	sadd.s32 s0, s3;
	s0 =	sld [smem:$0x3FAF]  }
0x30: {  	s3 =	sld [smem:$0x3FB2]  }
0x31: {  	[smem:$0x3FBB] =	sst s10  }
0x32: {  	s10 =	sld [smem:$0x3FB9];
	_ =	sdelay $0x3  }
0x33: {  	p0 =	seq.s32 s10, $0x1;
	s10 =	sld [smem:$0x3FBB];
	_ =	sdelay $0x3  }
0x34: {  	[smem:$0x3FBB] =	sst s10  }
0x35: {  	s10 =	sld [smem:$0x3FBA];
	_ =	sdelay $0x3  }
0x36: {  	p1 =	seq.s32 s10, $0x1;
	s10 =	sld [smem:$0x3FBB];
	_ =	sdelay $0x3  }
0x37: {  	[smem:$0x3FBB] =	sst s10  }
0x38: {  	s10 =	sld [smem:$0x3FBC]  }
0x39: {  	_ = 	snop;
	(pc) =	sbr.ind lr, $3  }
0x3a: {  	_ = 	snop  }
0x3b: {  	_ = 	snop  }
0x3c: {  	p2 =	seq.s32 s10, $0x1;
	s10 =	sld [smem:$0x3FBB]  }
0x3d: {  	_ =	shalt  }
0x3e: {  	_ =	shalt  }
0x3f: {  	_ =	shalt  }
0x40: {  	_ =	shalt  }
0x41: {  	_ =	shalt  }
0x42: {  	_ =	shalt  }
0x43: {  	_ =	shalt  }
0x44: {  	_ =	shalt  }
0x45: {  	_ =	shalt  }
0x46: {  	_ =	shalt  }
0x47: {  	_ =	shalt  }
0x48: {  	_ =	shalt  }
0x49: {  	_ =	shalt  }
0x4a: {  	_ =	shalt  }
0x4b: {  	_ =	shalt  }
0x4c: {  	_ =	shalt  }
0x4d: {  	_ =	shalt  }
0x4e: {  	_ =	shalt  }
0x4f: {  	_ =	shalt  }
0x50: {  	_ =	shalt  }
0x51: {  	_ =	shalt  }
0x52: {  	_ =	shalt  }
0x53: {  	_ =	shalt  }
0x54: {  	_ =	shalt  }
0x55: {  	_ =	shalt  }
0x56: {  	_ =	shalt  }
0x57: {  	_ =	shalt  }
0x58: {  	_ =	shalt  }
0x59: {  	_ =	shalt  }
0x5a: {  	_ =	shalt  }
0x5b: {  	_ =	shalt  }
0x5c: {  	_ =	shalt  }
0x5d: {  	_ =	shalt  }
0x5e: {  	_ =	shalt  }
0x5f: {  	_ =	shalt  }
0x60: {  	_ =	shalt  }
0x61: {  	_ =	shalt  }
0x62: {  	_ =	shalt  }
0x63: {  	_ =	shalt  }
0x64: {  	_ =	shalt  }
0x65: {  	_ =	shalt  }
0x66: {  	_ =	shalt  }
0x67: {  	_ =	shalt  }
0x68: {  	_ =	shalt  }
0x69: {  	_ =	shalt  }
0x6a: {  	_ =	shalt  }
0x6b: {  	_ =	shalt  }
0x6c: {  	_ =	shalt  }
0x6d: {  	_ =	shalt  }
0x6e: {  	_ =	shalt  }
0x6f: {  	_ =	shalt  }
0x70: {  	_ =	shalt  }
0x71: {  	_ =	shalt  }
0x72: {  	_ =	shalt  }
0x73: {  	_ =	shalt  }
0x74: {  	_ =	shalt  }
0x75: {  	_ =	shalt  }
0x76: {  	_ =	shalt  }
0x77: {  	_ =	shalt  }
0x78: {  	_ =	shalt  }
0x79: {  	_ =	shalt  }
0x7a: {  	_ =	shalt  }
0x7b: {  	_ =	shalt  }
0x7c: {  	_ =	shalt  }
0x7d: {  	_ =	shalt  }
0x7e: {  	_ =	shalt  }
0x7f: {  	_ =	shalt  }
0x80: {  	_ =	shalt  }
0x81: {  	_ =	shalt  }
0x82: {  	_ =	shalt  }
0x83: {  	_ =	shalt  }
0x84: {  	_ =	shalt  }
0x85: {  	_ =	shalt  }
0x86: {  	_ =	shalt  }
0x87: {  	_ =	shalt  }
.Lfunc_end0:
.L_simem_size_0:
called_computation_lowered:
.L_overlay_start_0:
0x88: {  	s2 =	sld [smem:$0x3FD9]  }
0x89: {  	s3 =	sld [smem:$0x3FFE];
	_ =	sdelay $0x1  }
0x8a: {  	s1 =	srdreg.scid  }
0x8b: {  	s0 =	sand.u32 $0x1, s1  }
0x8c: {  	s17 =	sshll.u32 s0, $0xA;
	s2 =	sadd.s32 s3, s2  }
0x8d: {  	s2 =	sadd.s32 s2, s17  }
0x8e: {  	[smem:$0x3FC7] =	sst s2  }
0x8f: {  	_ = 	snop  }
0x90: {  	s2 =	sld [smem:$0x3FD0];
	(tm) =	ssettm $0x1  }
0x91: {  	s18 =	sld [smem:$0x3FFB];
	_ =	sdelay $0x3  }
0x92: {  	_ =	strace s18  }
0x93: {  	s3 =	sld [smem:$0x3FFC];
	_ =	sdelay $0x3  }
0x94: {  	_ =	strace s3  }
0x95: {  	s3 =	sld [smem:$0x3FFD];
	_ =	sdelay $0x3  }
0x96: {  	_ =	strace s3  }
0x97: {  	_ =	strace $0x8FFFFFFF  }
0x98: {  	s19 =	sld [smem:$0x3FDB];
	_ =	sdelay $0x1  }
0x99: {  	s4 =	simm.s32 $_scs_section_size  }
0x9a: {  	s5 =	simm.s32 $_size__tile_overlayer_lowered;
	s6 =	simm.s32 $_tile_overlayer_lowered  }
0x9b: {  	s22 =	simm.s32 $0x1BFF;
	s21 =	sshll.u32 s6, $0x1;
	s3 =	sadd.s32 s4, s19  }
0x9c: {  	s7 =	simm.s32 $0x0;
	s20 =	sshll.u32 s5, $0x1;
	s5 =	sadd.s32 s21, s3  }
0x9d: {  	[timem:s7], [sflag:s22] =	dma.local [hbm:s5], s20  }
0x9e: {  	_ =	swait.ge [sflag:s22], s20  }
0x9f: {  	s4 =	ssub.s32 $0x0, s20;
	[sflag:s22] =	ssyncset.done $0x0  }
0xa0: {  	[sflag:s22] =	ssyncadd.s32 s4;
	_ =	sdelay $0x1  }
0xa1: {  	s23 =	simm.s32 $0x1B8B  }
0xa2: {  	_ =	swait.ge [sflag:s23], $0x1  }
0xa3: {  	[sflag:s23] =	ssyncset.done $0x0  }
0xa4: {  	s25 =	simm.s32 $0x1B8E;
	s24 =	sld [smem:$0x3FFE];
	[sflag:s23] =	ssyncadd.s32 $0xFFFFFFFF  }
0xa5: {  	s26 =	simm.s32 $execute0_lowered;
	[smem:$0x3FD2] =	sst s25  }
0xa6: {  	s5 =	sshll.u32 s26, $0x1;
	_ =	strace $0x80000046;
	[dreg:$0x1] =	wrdreg $0xFFFFFFFF  }
0xa7: {  	s28 =	simm.s32 $_size_execute0_lowered;
	s3 =	sadd.s32 s3, s5;
	[dreg:$0x0] =	wrdreg $0x0  }
0xa8: {  	s5 =	sshll.u32 s28, $0x1;
	[dreg:$0x2] =	wrdreg s3  }
0xa9: {  	[dreg:$0x3] =	wrdreg s5  }
0xaa: {  	[dreg:$0x4] =	wrdreg $0xC0  }
0xab: {  	_ =	task [dreg:s7], $0x5FFFF  }
0xac: {  	[dreg:$0x1] =	wrdreg $0xFFFFFFFF  }
0xad: {  	[dreg:$0x0] =	wrdreg $0x60  }
0xae: {  	[dreg:$0x2] =	wrdreg s24  }
0xaf: {  	[dreg:$0x3] =	wrdreg s2  }
0xb0: {  	[dreg:$0x4] =	wrdreg $0x9  }
0xb1: {  	_ =	task.clear_ibuf [dreg:s7], $0x5FFFF;
	_ =	strace $0x90000046  }
0xb2: {  	s29 =	simm.s32 $0x9;
	_ =	strace $0x80000048  }
0xb3: {  	_ =	swait.ge [sflag:s29], $0x1  }
0xb4: {  	[sflag:s29] =	ssyncadd.s32 $0xFFFFFFFF  }
0xb5: {  	_ =	strace $0x90000048  }
0xb6: {  	_ =	sfence  }
0xb7: {  	s30 =	sld [smem:$0x0];
	_ =	sdelay $0x2  }
0xb8: {  	s31 =	sshll.u32 s1, $0xD;
	s1 =	sshrl.u32 s1, $0x2  }
0xb9: {  	s3 =	sand.u32 $0x4000, s31;
	s1 =	sadd.s32 s1, s30  }
0xba: {  	s0 =	sor.u32 s3, s0;
	s1 =	sshll.u32 s1, $0x11  }
0xbb: {  	s0 =	sor.u32 s1, s0  }
0xbc: {  	s0 =	sadd.s32 $0x8F2B, s0  }
0xbd: {  	[sflag:s0] =	ssyncadd.remote.s32 $0x1  }
0xbe: {  	_ =	sfence.sel $0xFFFF  }
0xbf: {  	[dreg:$0x0] =	wrdreg $0xFFFFFFFF;
	(pc) =	sbr.abs _section_cstart, $3  }
0xc0: {  	[dreg:$0x1] =	wrdreg $0xFFFFFFFF  }
0xc1: {  	_ =	task.clear_ibuf [dreg:s7], $0x2FFFF;
	_ =	strace $0x9FFFFFFF  }
0xc2: {  	(tm) =	ssettm $0x7FFFFFFF  }
0xc3: {  	_ =	shalt  }
tec
execute0_lowered:
.L_overlay_start_1:
0x0: {  	(tag) =	ssettag $0x1  }
0x1: {  	s4 =	rddreg [dreg:$0x0]  }
0x2: {  	s3 =	rddreg [dreg:$0x1];
	s2 =	srdreg.scid  }
0x3: {  	s0 =	rddreg [dreg:$0x2];
	s1 =	stileid.u32;
	s13 =	simm.s32 $0x9  }
0x4: {  	s14 =	simm.s32 $0x80;
	s15 =	simm.s32 $0x1;
	s16 =	simm.s32 $0x2  }
0x5: {  	s17 =	simm.s32 $0x3;
	s18 =	simm.s32 $0x4;
	s19 =	simm.s32 $0x5  }
0x6: {  	s20 =	simm.s32 $0x6;
	s21 =	simm.s32 $0x7;
	s22 =	simm.s32 $0x8  }
0x7: {  	s23 =	simm.s32 $0x0;
	s5 =	sand.u32 $0x1, s2;
	s2 =	simm.s32 $0x0  }
0x8: {  	s6 =	sshll.u32 s1, $0xD;
	s4 =	sadd.s32 $0x600, s4;
	s7 =	sshll.u32 s5, $0xC  }
0x9: {  	[smem:$0x7FF] =	sst s2;
	s5 =	ssub.s32 $0x2, s5;
	s6 =	sor.u32 s7, s6  }
0xa: {  	_ =	strace $0x80000047;
	s31 =	sshrl.u32 s5, $0x1;
	s3 =	sadd.s32 s3, s6  }
0xb: {  	s12 =	ssub.s32 s5, s31;
	s5 =	sadd.s32 $0x200, s3;
	s6 =	sadd.s32 $0x400, s3  }
0xc: {  	s7 =	sadd.s32 $0x600, s3;
	s8 =	sadd.s32 $0x800, s3;
	s9 =	sadd.s32 $0xA00, s3  }
0xd: {  	s10 =	sadd.s32 $0xC00, s3;
	s11 =	sadd.s32 $0xE00, s3;
	s12 =	smax.u32 s12, $0x1  }
.LBB2_1:
0xe: {  	[tilespmem:s2], [sflag:$0x9] =	stream.linear.gather [hbm4b:s4+s2], $0x80, $0x38;
	[tilespmem:$0x1080] =	vst v63  }
0xf: {  	_ =	swait.ge [sflag:s13], $0x80  }
0x10: {  	[sflag:s13] =	ssyncset.done $0x0  }
0x11: {  	[sflag:s13] =	ssyncadd.s32 $0xFFFFFF80  }
0x12: {  	v0 =	vld [tilespmem:$0x0];
	_ =	sdelay $0x3  }
0x13: {  	s24 =	simm.s32 $0x40;
	s25 =	simm.s32 $0x0  }
.LBB2_2:
0x14: {  	p0 =	sne.s32 s24, $0x3FC0;
	[tilespmem:s25+$0x80] =	vst v0;
	s25 =	smov.u32 s24;
	s24 =	sadd.s32 $0x40, s24  }
.Ltmp0:
0x15: {  	(pc) =	sbr.rel @p0 .LBB2_2-.Ltmp0, $2  }
0x16: {  	_ =	sdelay $0x2  }
0x17: {  	s25 =	sshra.s32 s25, $0x2  }
0x18: {  	[tilespmem:s25+$0x80] =	vst v0  }
0x19: {  	[hbm4b:s3+s2] =	stream.linear.scatter [tilespmem:s14], [sflag:$0x1], $0x1000, $0x38;
	[tilespmem:$0x1080] =	vst v63  }
0x1a: {  	_ = 	snop  }
0x1b: {  	[hbm4b:s5+s2] =	stream.linear.scatter [tilespmem:s14], [sflag:$0x2], $0x1000, $0x38;
	[tilespmem:$0x1080] =	vst v63  }
0x1c: {  	_ = 	snop  }
0x1d: {  	[hbm4b:s6+s2] =	stream.linear.scatter [tilespmem:s14], [sflag:$0x3], $0x1000, $0x38;
	[tilespmem:$0x1080] =	vst v63  }
0x1e: {  	_ = 	snop  }
0x1f: {  	[hbm4b:s7+s2] =	stream.linear.scatter [tilespmem:s14], [sflag:$0x4], $0x1000, $0x38;
	[tilespmem:$0x1080] =	vst v63  }
0x20: {  	_ = 	snop  }
0x21: {  	[hbm4b:s8+s2] =	stream.linear.scatter [tilespmem:s14], [sflag:$0x5], $0x1000, $0x38;
	[tilespmem:$0x1080] =	vst v63  }
0x22: {  	_ = 	snop  }
0x23: {  	[hbm4b:s9+s2] =	stream.linear.scatter [tilespmem:s14], [sflag:$0x6], $0x1000, $0x38;
	[tilespmem:$0x1080] =	vst v63  }
0x24: {  	_ = 	snop  }
0x25: {  	[hbm4b:s10+s2] =	stream.linear.scatter [tilespmem:s14], [sflag:$0x7], $0x1000, $0x38;
	[tilespmem:$0x1080] =	vst v63  }
0x26: {  	_ = 	snop  }
0x27: {  	[hbm4b:s11+s2] =	stream.linear.scatter [tilespmem:s14], [sflag:$0x8], $0x1000, $0x38;
	[tilespmem:$0x1080] =	vst v63  }
0x28: {  	_ =	swait.ge [sflag:s15], $0x1000  }
0x29: {  	[sflag:s15] =	ssyncset.done $0x0  }
0x2a: {  	[sflag:s15] =	ssyncadd.s32 $0xFFFFF000  }
0x2b: {  	_ =	swait.ge [sflag:s16], $0x1000  }
0x2c: {  	[sflag:s16] =	ssyncset.done $0x0  }
0x2d: {  	[sflag:s16] =	ssyncadd.s32 $0xFFFFF000  }
0x2e: {  	_ =	swait.ge [sflag:s17], $0x1000  }
0x2f: {  	[sflag:s17] =	ssyncset.done $0x0  }
0x30: {  	[sflag:s17] =	ssyncadd.s32 $0xFFFFF000  }
0x31: {  	_ =	swait.ge [sflag:s18], $0x1000  }
0x32: {  	[sflag:s18] =	ssyncset.done $0x0  }
0x33: {  	[sflag:s18] =	ssyncadd.s32 $0xFFFFF000  }
0x34: {  	_ =	swait.ge [sflag:s19], $0x1000  }
0x35: {  	[sflag:s19] =	ssyncset.done $0x0  }
0x36: {  	[sflag:s19] =	ssyncadd.s32 $0xFFFFF000  }
0x37: {  	_ =	swait.ge [sflag:s20], $0x1000  }
0x38: {  	[sflag:s20] =	ssyncset.done $0x0  }
0x39: {  	s23 =	sadd.s32 $0x1, s23;
	[sflag:s20] =	ssyncadd.s32 $0xFFFFF000  }
0x3a: {  	p0 =	sne.s32 s23, s12;
	_ =	swait.ge [sflag:s21], $0x1000  }
.Ltmp1:
0x3b: {  	[sflag:s21] =	ssyncset.done $0x0;
	(pc) =	sbr.rel @p0 .LBB2_1-.Ltmp1, $4  }
0x3c: {  	[sflag:s21] =	ssyncadd.s32 $0xFFFFF000  }
0x3d: {  	_ =	swait.ge [sflag:s22], $0x1000  }
0x3e: {  	[sflag:s22] =	ssyncset.done $0x0  }
0x3f: {  	[sflag:s22] =	ssyncadd.s32 $0xFFFFF000  }
0x40: {  	_ =	sfence.sel $0x180000  }
0x41: {  	[bflag:$0x0] =	sbarrier.arrive $0xFFFF  }
0x42: {  	p0 =	sne.s32 s1, $0x0;
	_ =	strace $0x90000047  }
0x43: {  	s0 =	sadd.s32 @!p0 $0x100000, s0;
	[bflag:$0x2] =	sbarrier.arrive $0xFFFF  }
0x44: {  	[sflag:s0] =	ssyncadd.tile.s32 @!p0 $0x1;
	_ =	shalt  }
.Lfunc_end2:
_tile_overlayer_lowered:
.L_overlay_start_2:
0x45: {  	(tag) =	ssettag $0x2  }
0x46: {  	s0 =	rddreg [dreg:$0x0];
	s2 =	stileid.u32  }
0x47: {  	s1 =	rddreg [dreg:$0x1];
	p0 =	sne.s32 s2, $0x0  }
0x48: {  	s3 =	rddreg [dreg:$0x2];
	[bflag:$0x3] =	sbarrier.arrive $0xFFFF;
	s2 =	simm.s32 @!p0 $0x1C09  }
0x49: {  	[timem:s3], [sflag:s2] =	dma.local @!p0 [hbm:s0], s1  }
0x4a: {  	s0 =	simm.s32 @!p0 $0x9  }
0x4b: {  	_ =	swait.ge @!p0 [sflag:s0], s1  }
0x4c: {  	s1 =	ssub.s32 @!p0 $0x0, s1;
	[sflag:s0] =	ssyncset.done @!p0 $0x0  }
0x4d: {  	[sflag:s0] =	ssyncadd.s32 @!p0 s1  }
0x4e: {  	[bflag:$0x3] =	sbarrier.arrive $0xFFFF  }
0x4f: {  	_ =	shalt  }

</sc_bundles>
